<compile_context>
chip_gen: v7x
topology: tpu7x:2x2x1
jax: 0.10.2.dev20260603
libtpu: 0.0.44.dev20260713+nightly
codegen_flags: <defaults>
</compile_context>

<pallas_src>
import jax
import jax.numpy as jnp
from jax import lax
from jax.experimental import pallas as pl
from jax.experimental.pallas import tpu as pltpu
from jax.experimental.pallas import tpu_sc as plsc

NUM_WORKERS = 32
WINDOW = 128
G = 8


def kernel(token_ids, embedding_layer):
    n_rows, n_cols = token_ids.shape
    dim = embedding_layer.shape[1]
    num_indices = n_rows * n_cols
    idx = token_ids.reshape(num_indices)

    per_worker = num_indices // NUM_WORKERS
    n_chunks = per_worker // WINDOW
    n_groups = n_chunks // G

    mesh = plsc.VectorSubcoreMesh(core_axis_name="core",
                                  subcore_axis_name="subcore")

    @pl.kernel(
        out_type=jax.ShapeDtypeStruct((num_indices, dim), jnp.float32),
        mesh=mesh,
        compiler_params=pltpu.CompilerParams(use_tc_tiling_on_sc=False),
        scratch_types=[
            pltpu.VMEM((per_worker,), jnp.int32),
            pltpu.VMEM((G, WINDOW, dim), jnp.float32),
            pltpu.SemaphoreType.DMA,
            pltpu.SemaphoreType.DMA,
        ],
    )
    def gather_kernel(table_hbm, i_hbm, o_hbm, idx_all, rows_v, gsem, wsem):
        wid = lax.axis_index("subcore") * 2 + lax.axis_index("core")
        base = wid * per_worker
        pltpu.sync_copy(i_hbm.at[pl.ds(base, per_worker)], idx_all)

        @pl.loop(0, n_groups)
        def _(grp):
            goff = grp * (G * WINDOW)
            gathers = []
            for j in range(G):
                gathers.append(pltpu.async_copy(
                    table_hbm.at[idx_all.at[pl.ds(goff + j * WINDOW, WINDOW)]],
                    rows_v.at[j], gsem))
            writes = []
            for j in range(G):
                gathers[j].wait()
                writes.append(pltpu.async_copy(
                    rows_v.at[j],
                    o_hbm.at[pl.ds(base + goff + j * WINDOW, WINDOW)], wsem))
            for w in writes:
                w.wait()

    out = gather_kernel(embedding_layer, idx)
    return out.reshape(n_rows, n_cols, dim)

# --- scband reference (transcript-rebuilt; emitter-appended) ---
"""Pipeline reference for scband-embedding-86552180949804 (READ-ONLY COPY).

The authoritative reference and input builder live on the scoring server;
editing this copy changes nothing except your own understanding.
"""

import jax, jax.numpy as jnp
import numpy as np

NUM_EMBEDDINGS = 1000000
EMBEDDING_DIM = 64

def setup_inputs(seed: int = 0) -> dict:
    key = jax.random.key(seed)
    k_idx, k_tab = jax.random.split(key)
    token_ids = jax.random.randint(k_idx, (16384, 50), 0, NUM_EMBEDDINGS, dtype=jnp.int64 if jax.config.jax_enable_x64 else jnp.int32)
    # truncated normal init, mean=0, std=1, a=-3, b=3 (matches nn.init.trunc_normal_)
    embedding_layer = jax.random.truncated_normal(k_tab, -3.0, 3.0, (NUM_EMBEDDINGS, EMBEDDING_DIM), dtype=jnp.float32)
    return {"token_ids": token_ids, "embedding_layer": embedding_layer}

def reference(token_ids, embedding_layer):
    # equivalent to self.embedding_layer[token_ids]
    return jnp.take(embedding_layer, token_ids, axis=0)

if __name__ == "__main__":
    import jax
    _d = setup_inputs()
    print(jax.jit(kernel)(*tuple(_d.values())))

</pallas_src>

<mosaic_0001>
#map = affine_map<(d0, d1) -> (0, 0)>
#map1 = affine_map<(d0, d1) -> (0)>
module attributes {stable_mosaic.version = 14 : i64} {
  func.func @gather_kernel(%arg0: i32, %arg1: i32, %arg2: memref<1000000x64xf32, #tpu.memory_space<hbm>>, %arg3: memref<819200xi32, #tpu.memory_space<hbm>>, %arg4: memref<819200x64xf32, #tpu.memory_space<hbm>>, %arg5: memref<25600xi32, #tpu.memory_space<vmem>>, %arg6: memref<8x128x64xf32, #tpu.memory_space<vmem>>, %arg7: memref<!tpu.dma_semaphore, #tpu.memory_space<semaphore_mem>>, %arg8: memref<!tpu.dma_semaphore, #tpu.memory_space<semaphore_mem>>) attributes {dimension_semantics = [#tpu.dimension_semantics<core_parallel>, #tpu.dimension_semantics<subcore_parallel>], iteration_bounds = array<i64: 2, 16>, scalar_prefetch = 0 : i64, scratch_operands = 4 : i64, tpu.core_type = #tpu.core_type<sc_vector_subcore>, window_params = [{transform_indices = #map}, {transform_indices = #map1}, {transform_indices = #map}]} {
    %mul3A = arith.constant 2 : i32
    %mul3A_0 = arith.muli %arg1, %mul3A : i32
    %add3A = arith.addi %mul3A_0, %arg0 : i32
    %mul3A_1 = arith.constant 25600 : i32
    %mul3A_2 = arith.muli %add3A, %mul3A_1 : i32
    "tpu.region"() ({
      %run_scoped3A = tpu.sem_alloc : memref<!tpu.dma_semaphore, #tpu.memory_space<semaphore_mem>>
      %dma_start3A = tpu.memref_slice %arg3[%mul3A_2] : memref<819200xi32, #tpu.memory_space<hbm>> -> memref<25600xi32, #tpu.memory_space<hbm>>
      %dma_start3A_7 = tpu.memref_slice %arg3[%mul3A_2] : memref<819200xi32, #tpu.memory_space<hbm>> -> memref<25600xi32, #tpu.memory_space<hbm>>
      tpu.enqueue_dma source(%dma_start3A_7 : memref<25600xi32, #tpu.memory_space<hbm>>) target(%arg5 : memref<25600xi32, #tpu.memory_space<vmem>>) target_semaphore(%run_scoped3A : memref<!tpu.dma_semaphore, #tpu.memory_space<semaphore_mem>>)
      %dma_wait3A = tpu.memref_slice %arg3[%mul3A_2] : memref<819200xi32, #tpu.memory_space<hbm>> -> memref<25600xi32, #tpu.memory_space<hbm>>
      %dma_wait3A_8 = tpu.memref_slice %arg3[%mul3A_2] : memref<819200xi32, #tpu.memory_space<hbm>> -> memref<25600xi32, #tpu.memory_space<hbm>>
      tpu.wait_dma2 semaphore(%run_scoped3A : memref<!tpu.dma_semaphore, #tpu.memory_space<semaphore_mem>>) src(%dma_wait3A_8 : memref<25600xi32, #tpu.memory_space<hbm>>) dst(%arg5 : memref<25600xi32, #tpu.memory_space<vmem>>)
      tpu.yield
    }) : () -> ()
    %scan3A = arith.constant 0 : i32
    %scan3A_3 = arith.constant 25 : i32
    %scan3A_4 = arith.addi %scan3A, %scan3A_3 : i32
    %scan3A_5 = arith.constant 1 : i32
    scf.for %scan3A_7 = %scan3A to %scan3A_4 step %scan3A_5  : i32 {
      %mul3A_8 = arith.constant 1 : i32
      %mul3A_9 = arith.muli %scan3A_7, %mul3A_8 : i32
      %add3A_10 = arith.constant 0 : i32
      %add3A_11 = arith.addi %add3A_10, %mul3A_9 : i32
      %mul3A_12 = arith.constant 1024 : i32
      %mul3A_13 = arith.muli %add3A_11, %mul3A_12 : i32
      %add3A_14 = arith.constant 0 : i32
      %add3A_15 = arith.addi %mul3A_13, %add3A_14 : i32
      %dma_start3A = arith.constant 0 : i32
      %dma_start3A_16 = arith.constant 0 : i32
      %dma_start3A_17 = arith.constant 0 : i32
      %dma_start3A_18 = tpu.memref_slice %arg6[%dma_start3A, %dma_start3A_16, %dma_start3A_17] : memref<8x128x64xf32, #tpu.memory_space<vmem>> -> memref<1x128x64xf32, #tpu.memory_space<vmem>>
      %dma_start3A_19 = tpu.memref_squeeze %dma_start3A_18 : memref<1x128x64xf32, #tpu.memory_space<vmem>> -> memref<128x64xf32, #tpu.memory_space<vmem>>
      %dma_start3A_20 = tpu.memref_slice %arg5[%add3A_15] : memref<25600xi32, #tpu.memory_space<vmem>> -> memref<128xi32, #tpu.memory_space<vmem>>
      %dma_start3A_21 = arith.constant 0 : i32
      %dma_start3A_22 = arith.constant 0 : i32
      %dma_start3A_23 = tpu.memref_slice %arg2[%dma_start3A_21, %dma_start3A_22] : memref<1000000x64xf32, #tpu.memory_space<hbm>> -> memref<1000000x64xf32, #tpu.memory_space<hbm>>
      tpu.enqueue_indirect_dma source(%dma_start3A_23 : memref<1000000x64xf32, #tpu.memory_space<hbm>>) target(%dma_start3A_19 : memref<128x64xf32, #tpu.memory_space<vmem>>) offsets(%dma_start3A_20 : memref<128xi32, #tpu.memory_space<vmem>>) semaphore(%arg7 : memref<!tpu.dma_semaphore, #tpu.memory_space<semaphore_mem>>)
      %add3A_24 = arith.constant 128 : i32
      %add3A_25 = arith.addi %mul3A_13, %add3A_24 : i32
      %dma_start3A_26 = arith.constant 1 : i32
      %dma_start3A_27 = arith.constant 0 : i32
      %dma_start3A_28 = arith.constant 0 : i32
      %dma_start3A_29 = tpu.memref_slice %arg6[%dma_start3A_26, %dma_start3A_27, %dma_start3A_28] : memref<8x128x64xf32, #tpu.memory_space<vmem>> -> memref<1x128x64xf32, #tpu.memory_space<vmem>>
      %dma_start3A_30 = tpu.memref_squeeze %dma_start3A_29 : memref<1x128x64xf32, #tpu.memory_space<vmem>> -> memref<128x64xf32, #tpu.memory_space<vmem>>
      %dma_start3A_31 = tpu.memref_slice %arg5[%add3A_25] : memref<25600xi32, #tpu.memory_space<vmem>> -> memref<128xi32, #tpu.memory_space<vmem>>
      %dma_start3A_32 = arith.constant 0 : i32
      %dma_start3A_33 = arith.constant 0 : i32
      %dma_start3A_34 = tpu.memref_slice %arg2[%dma_start3A_32, %dma_start3A_33] : memref<1000000x64xf32, #tpu.memory_space<hbm>> -> memref<1000000x64xf32, #tpu.memory_space<hbm>>
      tpu.enqueue_indirect_dma source(%dma_start3A_34 : memref<1000000x64xf32, #tpu.memory_space<hbm>>) target(%dma_start3A_30 : memref<128x64xf32, #tpu.memory_space<vmem>>) offsets(%dma_start3A_31 : memref<128xi32, #tpu.memory_space<vmem>>) semaphore(%arg7 : memref<!tpu.dma_semaphore, #tpu.memory_space<semaphore_mem>>)
      %add3A_35 = arith.constant 256 : i32
      %add3A_36 = arith.addi %mul3A_13, %add3A_35 : i32
      %dma_start3A_37 = arith.constant 2 : i32
      %dma_start3A_38 = arith.constant 0 : i32
      %dma_start3A_39 = arith.constant 0 : i32
      %dma_start3A_40 = tpu.memref_slice %arg6[%dma_start3A_37, %dma_start3A_38, %dma_start3A_39] : memref<8x128x64xf32, #tpu.memory_space<vmem>> -> memref<1x128x64xf32, #tpu.memory_space<vmem>>
      %dma_start3A_41 = tpu.memref_squeeze %dma_start3A_40 : memref<1x128x64xf32, #tpu.memory_space<vmem>> -> memref<128x64xf32, #tpu.memory_space<vmem>>
      %dma_start3A_42 = tpu.memref_slice %arg5[%add3A_36] : memref<25600xi32, #tpu.memory_space<vmem>> -> memref<128xi32, #tpu.memory_space<vmem>>
      %dma_start3A_43 = arith.constant 0 : i32
      %dma_start3A_44 = arith.constant 0 : i32
      %dma_start3A_45 = tpu.memref_slice %arg2[%dma_start3A_43, %dma_start3A_44] : memref<1000000x64xf32, #tpu.memory_space<hbm>> -> memref<1000000x64xf32, #tpu.memory_space<hbm>>
      tpu.enqueue_indirect_dma source(%dma_start3A_45 : memref<1000000x64xf32, #tpu.memory_space<hbm>>) target(%dma_start3A_41 : memref<128x64xf32, #tpu.memory_space<vmem>>) offsets(%dma_start3A_42 : memref<128xi32, #tpu.memory_space<vmem>>) semaphore(%arg7 : memref<!tpu.dma_semaphore, #tpu.memory_space<semaphore_mem>>)
      %add3A_46 = arith.constant 384 : i32
      %add3A_47 = arith.addi %mul3A_13, %add3A_46 : i32
      %dma_start3A_48 = arith.constant 3 : i32
      %dma_start3A_49 = arith.constant 0 : i32
      %dma_start3A_50 = arith.constant 0 : i32
      %dma_start3A_51 = tpu.memref_slice %arg6[%dma_start3A_48, %dma_start3A_49, %dma_start3A_50] : memref<8x128x64xf32, #tpu.memory_space<vmem>> -> memref<1x128x64xf32, #tpu.memory_space<vmem>>
      %dma_start3A_52 = tpu.memref_squeeze %dma_start3A_51 : memref<1x128x64xf32, #tpu.memory_space<vmem>> -> memref<128x64xf32, #tpu.memory_space<vmem>>
      %dma_start3A_53 = tpu.memref_slice %arg5[%add3A_47] : memref<25600xi32, #tpu.memory_space<vmem>> -> memref<128xi32, #tpu.memory_space<vmem>>
      %dma_start3A_54 = arith.constant 0 : i32
      %dma_start3A_55 = arith.constant 0 : i32
      %dma_start3A_56 = tpu.memref_slice %arg2[%dma_start3A_54, %dma_start3A_55] : memref<1000000x64xf32, #tpu.memory_space<hbm>> -> memref<1000000x64xf32, #tpu.memory_space<hbm>>
      tpu.enqueue_indirect_dma source(%dma_start3A_56 : memref<1000000x64xf32, #tpu.memory_space<hbm>>) target(%dma_start3A_52 : memref<128x64xf32, #tpu.memory_space<vmem>>) offsets(%dma_start3A_53 : memref<128xi32, #tpu.memory_space<vmem>>) semaphore(%arg7 : memref<!tpu.dma_semaphore, #tpu.memory_space<semaphore_mem>>)
      %add3A_57 = arith.constant 512 : i32
      %add3A_58 = arith.addi %mul3A_13, %add3A_57 : i32
      %dma_start3A_59 = arith.constant 4 : i32
      %dma_start3A_60 = arith.constant 0 : i32
      %dma_start3A_61 = arith.constant 0 : i32
      %dma_start3A_62 = tpu.memref_slice %arg6[%dma_start3A_59, %dma_start3A_60, %dma_start3A_61] : memref<8x128x64xf32, #tpu.memory_space<vmem>> -> memref<1x128x64xf32, #tpu.memory_space<vmem>>
      %dma_start3A_63 = tpu.memref_squeeze %dma_start3A_62 : memref<1x128x64xf32, #tpu.memory_space<vmem>> -> memref<128x64xf32, #tpu.memory_space<vmem>>
      %dma_start3A_64 = tpu.memref_slice %arg5[%add3A_58] : memref<25600xi32, #tpu.memory_space<vmem>> -> memref<128xi32, #tpu.memory_space<vmem>>
      %dma_start3A_65 = arith.constant 0 : i32
      %dma_start3A_66 = arith.constant 0 : i32
      %dma_start3A_67 = tpu.memref_slice %arg2[%dma_start3A_65, %dma_start3A_66] : memref<1000000x64xf32, #tpu.memory_space<hbm>> -> memref<1000000x64xf32, #tpu.memory_space<hbm>>
      tpu.enqueue_indirect_dma source(%dma_start3A_67 : memref<1000000x64xf32, #tpu.memory_space<hbm>>) target(%dma_start3A_63 : memref<128x64xf32, #tpu.memory_space<vmem>>) offsets(%dma_start3A_64 : memref<128xi32, #tpu.memory_space<vmem>>) semaphore(%arg7 : memref<!tpu.dma_semaphore, #tpu.memory_space<semaphore_mem>>)
      %add3A_68 = arith.constant 640 : i32
      %add3A_69 = arith.addi %mul3A_13, %add3A_68 : i32
      %dma_start3A_70 = arith.constant 5 : i32
      %dma_start3A_71 = arith.constant 0 : i32
      %dma_start3A_72 = arith.constant 0 : i32
      %dma_start3A_73 = tpu.memref_slice %arg6[%dma_start3A_70, %dma_start3A_71, %dma_start3A_72] : memref<8x128x64xf32, #tpu.memory_space<vmem>> -> memref<1x128x64xf32, #tpu.memory_space<vmem>>
      %dma_start3A_74 = tpu.memref_squeeze %dma_start3A_73 : memref<1x128x64xf32, #tpu.memory_space<vmem>> -> memref<128x64xf32, #tpu.memory_space<vmem>>
      %dma_start3A_75 = tpu.memref_slice %arg5[%add3A_69] : memref<25600xi32, #tpu.memory_space<vmem>> -> memref<128xi32, #tpu.memory_space<vmem>>
      %dma_start3A_76 = arith.constant 0 : i32
      %dma_start3A_77 = arith.constant 0 : i32
      %dma_start3A_78 = tpu.memref_slice %arg2[%dma_start3A_76, %dma_start3A_77] : memref<1000000x64xf32, #tpu.memory_space<hbm>> -> memref<1000000x64xf32, #tpu.memory_space<hbm>>
      tpu.enqueue_indirect_dma source(%dma_start3A_78 : memref<1000000x64xf32, #tpu.memory_space<hbm>>) target(%dma_start3A_74 : memref<128x64xf32, #tpu.memory_space<vmem>>) offsets(%dma_start3A_75 : memref<128xi32, #tpu.memory_space<vmem>>) semaphore(%arg7 : memref<!tpu.dma_semaphore, #tpu.memory_space<semaphore_mem>>)
      %add3A_79 = arith.constant 768 : i32
      %add3A_80 = arith.addi %mul3A_13, %add3A_79 : i32
      %dma_start3A_81 = arith.constant 6 : i32
      %dma_start3A_82 = arith.constant 0 : i32
      %dma_start3A_83 = arith.constant 0 : i32
      %dma_start3A_84 = tpu.memref_slice %arg6[%dma_start3A_81, %dma_start3A_82, %dma_start3A_83] : memref<8x128x64xf32, #tpu.memory_space<vmem>> -> memref<1x128x64xf32, #tpu.memory_space<vmem>>
      %dma_start3A_85 = tpu.memref_squeeze %dma_start3A_84 : memref<1x128x64xf32, #tpu.memory_space<vmem>> -> memref<128x64xf32, #tpu.memory_space<vmem>>
      %dma_start3A_86 = tpu.memref_slice %arg5[%add3A_80] : memref<25600xi32, #tpu.memory_space<vmem>> -> memref<128xi32, #tpu.memory_space<vmem>>
      %dma_start3A_87 = arith.constant 0 : i32
      %dma_start3A_88 = arith.constant 0 : i32
      %dma_start3A_89 = tpu.memref_slice %arg2[%dma_start3A_87, %dma_start3A_88] : memref<1000000x64xf32, #tpu.memory_space<hbm>> -> memref<1000000x64xf32, #tpu.memory_space<hbm>>
      tpu.enqueue_indirect_dma source(%dma_start3A_89 : memref<1000000x64xf32, #tpu.memory_space<hbm>>) target(%dma_start3A_85 : memref<128x64xf32, #tpu.memory_space<vmem>>) offsets(%dma_start3A_86 : memref<128xi32, #tpu.memory_space<vmem>>) semaphore(%arg7 : memref<!tpu.dma_semaphore, #tpu.memory_space<semaphore_mem>>)
      %add3A_90 = arith.constant 896 : i32
      %add3A_91 = arith.addi %mul3A_13, %add3A_90 : i32
      %dma_start3A_92 = arith.constant 7 : i32
      %dma_start3A_93 = arith.constant 0 : i32
      %dma_start3A_94 = arith.constant 0 : i32
      %dma_start3A_95 = tpu.memref_slice %arg6[%dma_start3A_92, %dma_start3A_93, %dma_start3A_94] : memref<8x128x64xf32, #tpu.memory_space<vmem>> -> memref<1x128x64xf32, #tpu.memory_space<vmem>>
      %dma_start3A_96 = tpu.memref_squeeze %dma_start3A_95 : memref<1x128x64xf32, #tpu.memory_space<vmem>> -> memref<128x64xf32, #tpu.memory_space<vmem>>
      %dma_start3A_97 = tpu.memref_slice %arg5[%add3A_91] : memref<25600xi32, #tpu.memory_space<vmem>> -> memref<128xi32, #tpu.memory_space<vmem>>
      %dma_start3A_98 = arith.constant 0 : i32
      %dma_start3A_99 = arith.constant 0 : i32
      %dma_start3A_100 = tpu.memref_slice %arg2[%dma_start3A_98, %dma_start3A_99] : memref<1000000x64xf32, #tpu.memory_space<hbm>> -> memref<1000000x64xf32, #tpu.memory_space<hbm>>
      tpu.enqueue_indirect_dma source(%dma_start3A_100 : memref<1000000x64xf32, #tpu.memory_space<hbm>>) target(%dma_start3A_96 : memref<128x64xf32, #tpu.memory_space<vmem>>) offsets(%dma_start3A_97 : memref<128xi32, #tpu.memory_space<vmem>>) semaphore(%arg7 : memref<!tpu.dma_semaphore, #tpu.memory_space<semaphore_mem>>)
      %dma_wait3A = arith.constant 0 : i32
      %dma_wait3A_101 = arith.constant 0 : i32
      %dma_wait3A_102 = arith.constant 0 : i32
      %dma_wait3A_103 = tpu.memref_slice %arg6[%dma_wait3A, %dma_wait3A_101, %dma_wait3A_102] : memref<8x128x64xf32, #tpu.memory_space<vmem>> -> memref<1x128x64xf32, #tpu.memory_space<vmem>>
      %dma_wait3A_104 = tpu.memref_squeeze %dma_wait3A_103 : memref<1x128x64xf32, #tpu.memory_space<vmem>> -> memref<128x64xf32, #tpu.memory_space<vmem>>
      %dma_wait3A_105 = tpu.memref_slice %arg5[%add3A_15] : memref<25600xi32, #tpu.memory_space<vmem>> -> memref<128xi32, #tpu.memory_space<vmem>>
      %dma_wait3A_106 = arith.constant 0 : i32
      %dma_wait3A_107 = arith.constant 0 : i32
      %dma_wait3A_108 = tpu.memref_slice %arg2[%dma_wait3A_106, %dma_wait3A_107] : memref<1000000x64xf32, #tpu.memory_space<hbm>> -> memref<1000000x64xf32, #tpu.memory_space<hbm>>
      tpu.wait_indirect_dma semaphore(%arg7 : memref<!tpu.dma_semaphore, #tpu.memory_space<semaphore_mem>>) src(%dma_wait3A_108 : memref<1000000x64xf32, #tpu.memory_space<hbm>>) dst(%dma_wait3A_104 : memref<128x64xf32, #tpu.memory_space<vmem>>)
      %add3A_109 = arith.addi %mul3A_2, %mul3A_13 : i32
      %add3A_110 = arith.constant 0 : i32
      %add3A_111 = arith.addi %add3A_109, %add3A_110 : i32
      %dma_start3A_112 = arith.constant 0 : i32
      %dma_start3A_113 = arith.constant 0 : i32
      %dma_start3A_114 = arith.constant 0 : i32
      %dma_start3A_115 = tpu.memref_slice %arg6[%dma_start3A_112, %dma_start3A_113, %dma_start3A_114] : memref<8x128x64xf32, #tpu.memory_space<vmem>> -> memref<1x128x64xf32, #tpu.memory_space<vmem>>
      %dma_start3A_116 = tpu.memref_squeeze %dma_start3A_115 : memref<1x128x64xf32, #tpu.memory_space<vmem>> -> memref<128x64xf32, #tpu.memory_space<vmem>>
      %dma_start3A_117 = arith.constant 0 : i32
      %dma_start3A_118 = tpu.memref_slice %arg4[%add3A_111, %dma_start3A_117] : memref<819200x64xf32, #tpu.memory_space<hbm>> -> memref<128x64xf32, #tpu.memory_space<hbm>>
      %dma_start3A_119 = arith.constant 0 : i32
      %dma_start3A_120 = tpu.memref_slice %arg4[%add3A_111, %dma_start3A_119] : memref<819200x64xf32, #tpu.memory_space<hbm>> -> memref<128x64xf32, #tpu.memory_space<hbm>>
      %dma_start3A_121 = arith.constant 0 : i32
      %dma_start3A_122 = arith.constant 0 : i32
      %dma_start3A_123 = tpu.memref_slice %arg6[%dma_start3A_112, %dma_start3A_121, %dma_start3A_122] : memref<8x128x64xf32, #tpu.memory_space<vmem>> -> memref<1x128x64xf32, #tpu.memory_space<vmem>>
      %dma_start3A_124 = tpu.memref_squeeze %dma_start3A_123 : memref<1x128x64xf32, #tpu.memory_space<vmem>> -> memref<128x64xf32, #tpu.memory_space<vmem>>
      tpu.enqueue_dma source(%dma_start3A_124 : memref<128x64xf32, #tpu.memory_space<vmem>>) target(%dma_start3A_120 : memref<128x64xf32, #tpu.memory_space<hbm>>) target_semaphore(%arg8 : memref<!tpu.dma_semaphore, #tpu.memory_space<semaphore_mem>>)
      %dma_wait3A_125 = arith.constant 1 : i32
      %dma_wait3A_126 = arith.constant 0 : i32
      %dma_wait3A_127 = arith.constant 0 : i32
      %dma_wait3A_128 = tpu.memref_slice %arg6[%dma_wait3A_125, %dma_wait3A_126, %dma_wait3A_127] : memref<8x128x64xf32, #tpu.memory_space<vmem>> -> memref<1x128x64xf32, #tpu.memory_space<vmem>>
      %dma_wait3A_129 = tpu.memref_squeeze %dma_wait3A_128 : memref<1x128x64xf32, #tpu.memory_space<vmem>> -> memref<128x64xf32, #tpu.memory_space<vmem>>
      %dma_wait3A_130 = tpu.memref_slice %arg5[%add3A_25] : memref<25600xi32, #tpu.memory_space<vmem>> -> memref<128xi32, #tpu.memory_space<vmem>>
      %dma_wait3A_131 = arith.constant 0 : i32
      %dma_wait3A_132 = arith.constant 0 : i32
      %dma_wait3A_133 = tpu.memref_slice %arg2[%dma_wait3A_131, %dma_wait3A_132] : memref<1000000x64xf32, #tpu.memory_space<hbm>> -> memref<1000000x64xf32, #tpu.memory_space<hbm>>
      tpu.wait_indirect_dma semaphore(%arg7 : memref<!tpu.dma_semaphore, #tpu.memory_space<semaphore_mem>>) src(%dma_wait3A_133 : memref<1000000x64xf32, #tpu.memory_space<hbm>>) dst(%dma_wait3A_129 : memref<128x64xf32, #tpu.memory_space<vmem>>)
      %add3A_134 = arith.addi %mul3A_2, %mul3A_13 : i32
      %add3A_135 = arith.constant 128 : i32
      %add3A_136 = arith.addi %add3A_134, %add3A_135 : i32
      %dma_start3A_137 = arith.constant 1 : i32
      %dma_start3A_138 = arith.constant 0 : i32
      %dma_start3A_139 = arith.constant 0 : i32
      %dma_start3A_140 = tpu.memref_slice %arg6[%dma_start3A_137, %dma_start3A_138, %dma_start3A_139] : memref<8x128x64xf32, #tpu.memory_space<vmem>> -> memref<1x128x64xf32, #tpu.memory_space<vmem>>
      %dma_start3A_141 = tpu.memref_squeeze %dma_start3A_140 : memref<1x128x64xf32, #tpu.memory_space<vmem>> -> memref<128x64xf32, #tpu.memory_space<vmem>>
      %dma_start3A_142 = arith.constant 0 : i32
      %dma_start3A_143 = tpu.memref_slice %arg4[%add3A_136, %dma_start3A_142] : memref<819200x64xf32, #tpu.memory_space<hbm>> -> memref<128x64xf32, #tpu.memory_space<hbm>>
      %dma_start3A_144 = arith.constant 0 : i32
      %dma_start3A_145 = tpu.memref_slice %arg4[%add3A_136, %dma_start3A_144] : memref<819200x64xf32, #tpu.memory_space<hbm>> -> memref<128x64xf32, #tpu.memory_space<hbm>>
      %dma_start3A_146 = arith.constant 0 : i32
      %dma_start3A_147 = arith.constant 0 : i32
      %dma_start3A_148 = tpu.memref_slice %arg6[%dma_start3A_137, %dma_start3A_146, %dma_start3A_147] : memref<8x128x64xf32, #tpu.memory_space<vmem>> -> memref<1x128x64xf32, #tpu.memory_space<vmem>>
      %dma_start3A_149 = tpu.memref_squeeze %dma_start3A_148 : memref<1x128x64xf32, #tpu.memory_space<vmem>> -> memref<128x64xf32, #tpu.memory_space<vmem>>
      tpu.enqueue_dma source(%dma_start3A_149 : memref<128x64xf32, #tpu.memory_space<vmem>>) target(%dma_start3A_145 : memref<128x64xf32, #tpu.memory_space<hbm>>) target_semaphore(%arg8 : memref<!tpu.dma_semaphore, #tpu.memory_space<semaphore_mem>>)
      %dma_wait3A_150 = arith.constant 2 : i32
      %dma_wait3A_151 = arith.constant 0 : i32
      %dma_wait3A_152 = arith.constant 0 : i32
      %dma_wait3A_153 = tpu.memref_slice %arg6[%dma_wait3A_150, %dma_wait3A_151, %dma_wait3A_152] : memref<8x128x64xf32, #tpu.memory_space<vmem>> -> memref<1x128x64xf32, #tpu.memory_space<vmem>>
      %dma_wait3A_154 = tpu.memref_squeeze %dma_wait3A_153 : memref<1x128x64xf32, #tpu.memory_space<vmem>> -> memref<128x64xf32, #tpu.memory_space<vmem>>
      %dma_wait3A_155 = tpu.memref_slice %arg5[%add3A_36] : memref<25600xi32, #tpu.memory_space<vmem>> -> memref<128xi32, #tpu.memory_space<vmem>>
      %dma_wait3A_156 = arith.constant 0 : i32
      %dma_wait3A_157 = arith.constant 0 : i32
      %dma_wait3A_158 = tpu.memref_slice %arg2[%dma_wait3A_156, %dma_wait3A_157] : memref<1000000x64xf32, #tpu.memory_space<hbm>> -> memref<1000000x64xf32, #tpu.memory_space<hbm>>
      tpu.wait_indirect_dma semaphore(%arg7 : memref<!tpu.dma_semaphore, #tpu.memory_space<semaphore_mem>>) src(%dma_wait3A_158 : memref<1000000x64xf32, #tpu.memory_space<hbm>>) dst(%dma_wait3A_154 : memref<128x64xf32, #tpu.memory_space<vmem>>)
      %add3A_159 = arith.addi %mul3A_2, %mul3A_13 : i32
      %add3A_160 = arith.constant 256 : i32
      %add3A_161 = arith.addi %add3A_159, %add3A_160 : i32
      %dma_start3A_162 = arith.constant 2 : i32
      %dma_start3A_163 = arith.constant 0 : i32
      %dma_start3A_164 = arith.constant 0 : i32
      %dma_start3A_165 = tpu.memref_slice %arg6[%dma_start3A_162, %dma_start3A_163, %dma_start3A_164] : memref<8x128x64xf32, #tpu.memory_space<vmem>> -> memref<1x128x64xf32, #tpu.memory_space<vmem>>
      %dma_start3A_166 = tpu.memref_squeeze %dma_start3A_165 : memref<1x128x64xf32, #tpu.memory_space<vmem>> -> memref<128x64xf32, #tpu.memory_space<vmem>>
      %dma_start3A_167 = arith.constant 0 : i32
      %dma_start3A_168 = tpu.memref_slice %arg4[%add3A_161, %dma_start3A_167] : memref<819200x64xf32, #tpu.memory_space<hbm>> -> memref<128x64xf32, #tpu.memory_space<hbm>>
      %dma_start3A_169 = arith.constant 0 : i32
      %dma_start3A_170 = tpu.memref_slice %arg4[%add3A_161, %dma_start3A_169] : memref<819200x64xf32, #tpu.memory_space<hbm>> -> memref<128x64xf32, #tpu.memory_space<hbm>>
      %dma_start3A_171 = arith.constant 0 : i32
      %dma_start3A_172 = arith.constant 0 : i32
      %dma_start3A_173 = tpu.memref_slice %arg6[%dma_start3A_162, %dma_start3A_171, %dma_start3A_172] : memref<8x128x64xf32, #tpu.memory_space<vmem>> -> memref<1x128x64xf32, #tpu.memory_space<vmem>>
      %dma_start3A_174 = tpu.memref_squeeze %dma_start3A_173 : memref<1x128x64xf32, #tpu.memory_space<vmem>> -> memref<128x64xf32, #tpu.memory_space<vmem>>
      tpu.enqueue_dma source(%dma_start3A_174 : memref<128x64xf32, #tpu.memory_space<vmem>>) target(%dma_start3A_170 : memref<128x64xf32, #tpu.memory_space<hbm>>) target_semaphore(%arg8 : memref<!tpu.dma_semaphore, #tpu.memory_space<semaphore_mem>>)
      %dma_wait3A_175 = arith.constant 3 : i32
      %dma_wait3A_176 = arith.constant 0 : i32
      %dma_wait3A_177 = arith.constant 0 : i32
      %dma_wait3A_178 = tpu.memref_slice %arg6[%dma_wait3A_175, %dma_wait3A_176, %dma_wait3A_177] : memref<8x128x64xf32, #tpu.memory_space<vmem>> -> memref<1x128x64xf32, #tpu.memory_space<vmem>>
      %dma_wait3A_179 = tpu.memref_squeeze %dma_wait3A_178 : memref<1x128x64xf32, #tpu.memory_space<vmem>> -> memref<128x64xf32, #tpu.memory_space<vmem>>
      %dma_wait3A_180 = tpu.memref_slice %arg5[%add3A_47] : memref<25600xi32, #tpu.memory_space<vmem>> -> memref<128xi32, #tpu.memory_space<vmem>>
      %dma_wait3A_181 = arith.constant 0 : i32
      %dma_wait3A_182 = arith.constant 0 : i32
      %dma_wait3A_183 = tpu.memref_slice %arg2[%dma_wait3A_181, %dma_wait3A_182] : memref<1000000x64xf32, #tpu.memory_space<hbm>> -> memref<1000000x64xf32, #tpu.memory_space<hbm>>
      tpu.wait_indirect_dma semaphore(%arg7 : memref<!tpu.dma_semaphore, #tpu.memory_space<semaphore_mem>>) src(%dma_wait3A_183 : memref<1000000x64xf32, #tpu.memory_space<hbm>>) dst(%dma_wait3A_179 : memref<128x64xf32, #tpu.memory_space<vmem>>)
      %add3A_184 = arith.addi %mul3A_2, %mul3A_13 : i32
      %add3A_185 = arith.constant 384 : i32
      %add3A_186 = arith.addi %add3A_184, %add3A_185 : i32
      %dma_start3A_187 = arith.constant 3 : i32
      %dma_start3A_188 = arith.constant 0 : i32
      %dma_start3A_189 = arith.constant 0 : i32
      %dma_start3A_190 = tpu.memref_slice %arg6[%dma_start3A_187, %dma_start3A_188, %dma_start3A_189] : memref<8x128x64xf32, #tpu.memory_space<vmem>> -> memref<1x128x64xf32, #tpu.memory_space<vmem>>
      %dma_start3A_191 = tpu.memref_squeeze %dma_start3A_190 : memref<1x128x64xf32, #tpu.memory_space<vmem>> -> memref<128x64xf32, #tpu.memory_space<vmem>>
      %dma_start3A_192 = arith.constant 0 : i32
      %dma_start3A_193 = tpu.memref_slice %arg4[%add3A_186, %dma_start3A_192] : memref<819200x64xf32, #tpu.memory_space<hbm>> -> memref<128x64xf32, #tpu.memory_space<hbm>>
      %dma_start3A_194 = arith.constant 0 : i32
      %dma_start3A_195 = tpu.memref_slice %arg4[%add3A_186, %dma_start3A_194] : memref<819200x64xf32, #tpu.memory_space<hbm>> -> memref<128x64xf32, #tpu.memory_space<hbm>>
      %dma_start3A_196 = arith.constant 0 : i32
      %dma_start3A_197 = arith.constant 0 : i32
      %dma_start3A_198 = tpu.memref_slice %arg6[%dma_start3A_187, %dma_start3A_196, %dma_start3A_197] : memref<8x128x64xf32, #tpu.memory_space<vmem>> -> memref<1x128x64xf32, #tpu.memory_space<vmem>>
      %dma_start3A_199 = tpu.memref_squeeze %dma_start3A_198 : memref<1x128x64xf32, #tpu.memory_space<vmem>> -> memref<128x64xf32, #tpu.memory_space<vmem>>
      tpu.enqueue_dma source(%dma_start3A_199 : memref<128x64xf32, #tpu.memory_space<vmem>>) target(%dma_start3A_195 : memref<128x64xf32, #tpu.memory_space<hbm>>) target_semaphore(%arg8 : memref<!tpu.dma_semaphore, #tpu.memory_space<semaphore_mem>>)
      %dma_wait3A_200 = arith.constant 4 : i32
      %dma_wait3A_201 = arith.constant 0 : i32
      %dma_wait3A_202 = arith.constant 0 : i32
      %dma_wait3A_203 = tpu.memref_slice %arg6[%dma_wait3A_200, %dma_wait3A_201, %dma_wait3A_202] : memref<8x128x64xf32, #tpu.memory_space<vmem>> -> memref<1x128x64xf32, #tpu.memory_space<vmem>>
      %dma_wait3A_204 = tpu.memref_squeeze %dma_wait3A_203 : memref<1x128x64xf32, #tpu.memory_space<vmem>> -> memref<128x64xf32, #tpu.memory_space<vmem>>
      %dma_wait3A_205 = tpu.memref_slice %arg5[%add3A_58] : memref<25600xi32, #tpu.memory_space<vmem>> -> memref<128xi32, #tpu.memory_space<vmem>>
      %dma_wait3A_206 = arith.constant 0 : i32
      %dma_wait3A_207 = arith.constant 0 : i32
      %dma_wait3A_208 = tpu.memref_slice %arg2[%dma_wait3A_206, %dma_wait3A_207] : memref<1000000x64xf32, #tpu.memory_space<hbm>> -> memref<1000000x64xf32, #tpu.memory_space<hbm>>
      tpu.wait_indirect_dma semaphore(%arg7 : memref<!tpu.dma_semaphore, #tpu.memory_space<semaphore_mem>>) src(%dma_wait3A_208 : memref<1000000x64xf32, #tpu.memory_space<hbm>>) dst(%dma_wait3A_204 : memref<128x64xf32, #tpu.memory_space<vmem>>)
      %add3A_209 = arith.addi %mul3A_2, %mul3A_13 : i32
      %add3A_210 = arith.constant 512 : i32
      %add3A_211 = arith.addi %add3A_209, %add3A_210 : i32
      %dma_start3A_212 = arith.constant 4 : i32
      %dma_start3A_213 = arith.constant 0 : i32
      %dma_start3A_214 = arith.constant 0 : i32
      %dma_start3A_215 = tpu.memref_slice %arg6[%dma_start3A_212, %dma_start3A_213, %dma_start3A_214] : memref<8x128x64xf32, #tpu.memory_space<vmem>> -> memref<1x128x64xf32, #tpu.memory_space<vmem>>
      %dma_start3A_216 = tpu.memref_squeeze %dma_start3A_215 : memref<1x128x64xf32, #tpu.memory_space<vmem>> -> memref<128x64xf32, #tpu.memory_space<vmem>>
      %dma_start3A_217 = arith.constant 0 : i32
      %dma_start3A_218 = tpu.memref_slice %arg4[%add3A_211, %dma_start3A_217] : memref<819200x64xf32, #tpu.memory_space<hbm>> -> memref<128x64xf32, #tpu.memory_space<hbm>>
      %dma_start3A_219 = arith.constant 0 : i32
      %dma_start3A_220 = tpu.memref_slice %arg4[%add3A_211, %dma_start3A_219] : memref<819200x64xf32, #tpu.memory_space<hbm>> -> memref<128x64xf32, #tpu.memory_space<hbm>>
      %dma_start3A_221 = arith.constant 0 : i32
      %dma_start3A_222 = arith.constant 0 : i32
      %dma_start3A_223 = tpu.memref_slice %arg6[%dma_start3A_212, %dma_start3A_221, %dma_start3A_222] : memref<8x128x64xf32, #tpu.memory_space<vmem>> -> memref<1x128x64xf32, #tpu.memory_space<vmem>>
      %dma_start3A_224 = tpu.memref_squeeze %dma_start3A_223 : memref<1x128x64xf32, #tpu.memory_space<vmem>> -> memref<128x64xf32, #tpu.memory_space<vmem>>
      tpu.enqueue_dma source(%dma_start3A_224 : memref<128x64xf32, #tpu.memory_space<vmem>>) target(%dma_start3A_220 : memref<128x64xf32, #tpu.memory_space<hbm>>) target_semaphore(%arg8 : memref<!tpu.dma_semaphore, #tpu.memory_space<semaphore_mem>>)
      %dma_wait3A_225 = arith.constant 5 : i32
      %dma_wait3A_226 = arith.constant 0 : i32
      %dma_wait3A_227 = arith.constant 0 : i32
      %dma_wait3A_228 = tpu.memref_slice %arg6[%dma_wait3A_225, %dma_wait3A_226, %dma_wait3A_227] : memref<8x128x64xf32, #tpu.memory_space<vmem>> -> memref<1x128x64xf32, #tpu.memory_space<vmem>>
      %dma_wait3A_229 = tpu.memref_squeeze %dma_wait3A_228 : memref<1x128x64xf32, #tpu.memory_space<vmem>> -> memref<128x64xf32, #tpu.memory_space<vmem>>
      %dma_wait3A_230 = tpu.memref_slice %arg5[%add3A_69] : memref<25600xi32, #tpu.memory_space<vmem>> -> memref<128xi32, #tpu.memory_space<vmem>>
      %dma_wait3A_231 = arith.constant 0 : i32
      %dma_wait3A_232 = arith.constant 0 : i32
      %dma_wait3A_233 = tpu.memref_slice %arg2[%dma_wait3A_231, %dma_wait3A_232] : memref<1000000x64xf32, #tpu.memory_space<hbm>> -> memref<1000000x64xf32, #tpu.memory_space<hbm>>
      tpu.wait_indirect_dma semaphore(%arg7 : memref<!tpu.dma_semaphore, #tpu.memory_space<semaphore_mem>>) src(%dma_wait3A_233 : memref<1000000x64xf32, #tpu.memory_space<hbm>>) dst(%dma_wait3A_229 : memref<128x64xf32, #tpu.memory_space<vmem>>)
      %add3A_234 = arith.addi %mul3A_2, %mul3A_13 : i32
      %add3A_235 = arith.constant 640 : i32
      %add3A_236 = arith.addi %add3A_234, %add3A_235 : i32
      %dma_start3A_237 = arith.constant 5 : i32
      %dma_start3A_238 = arith.constant 0 : i32
      %dma_start3A_239 = arith.constant 0 : i32
      %dma_start3A_240 = tpu.memref_slice %arg6[%dma_start3A_237, %dma_start3A_238, %dma_start3A_239] : memref<8x128x64xf32, #tpu.memory_space<vmem>> -> memref<1x128x64xf32, #tpu.memory_space<vmem>>
      %dma_start3A_241 = tpu.memref_squeeze %dma_start3A_240 : memref<1x128x64xf32, #tpu.memory_space<vmem>> -> memref<128x64xf32, #tpu.memory_space<vmem>>
      %dma_start3A_242 = arith.constant 0 : i32
      %dma_start3A_243 = tpu.memref_slice %arg4[%add3A_236, %dma_start3A_242] : memref<819200x64xf32, #tpu.memory_space<hbm>> -> memref<128x64xf32, #tpu.memory_space<hbm>>
      %dma_start3A_244 = arith.constant 0 : i32
      %dma_start3A_245 = tpu.memref_slice %arg4[%add3A_236, %dma_start3A_244] : memref<819200x64xf32, #tpu.memory_space<hbm>> -> memref<128x64xf32, #tpu.memory_space<hbm>>
      %dma_start3A_246 = arith.constant 0 : i32
      %dma_start3A_247 = arith.constant 0 : i32
      %dma_start3A_248 = tpu.memref_slice %arg6[%dma_start3A_237, %dma_start3A_246, %dma_start3A_247] : memref<8x128x64xf32, #tpu.memory_space<vmem>> -> memref<1x128x64xf32, #tpu.memory_space<vmem>>
      %dma_start3A_249 = tpu.memref_squeeze %dma_start3A_248 : memref<1x128x64xf32, #tpu.memory_space<vmem>> -> memref<128x64xf32, #tpu.memory_space<vmem>>
      tpu.enqueue_dma source(%dma_start3A_249 : memref<128x64xf32, #tpu.memory_space<vmem>>) target(%dma_start3A_245 : memref<128x64xf32, #tpu.memory_space<hbm>>) target_semaphore(%arg8 : memref<!tpu.dma_semaphore, #tpu.memory_space<semaphore_mem>>)
      %dma_wait3A_250 = arith.constant 6 : i32
      %dma_wait3A_251 = arith.constant 0 : i32
      %dma_wait3A_252 = arith.constant 0 : i32
      %dma_wait3A_253 = tpu.memref_slice %arg6[%dma_wait3A_250, %dma_wait3A_251, %dma_wait3A_252] : memref<8x128x64xf32, #tpu.memory_space<vmem>> -> memref<1x128x64xf32, #tpu.memory_space<vmem>>
      %dma_wait3A_254 = tpu.memref_squeeze %dma_wait3A_253 : memref<1x128x64xf32, #tpu.memory_space<vmem>> -> memref<128x64xf32, #tpu.memory_space<vmem>>
      %dma_wait3A_255 = tpu.memref_slice %arg5[%add3A_80] : memref<25600xi32, #tpu.memory_space<vmem>> -> memref<128xi32, #tpu.memory_space<vmem>>
      %dma_wait3A_256 = arith.constant 0 : i32
      %dma_wait3A_257 = arith.constant 0 : i32
      %dma_wait3A_258 = tpu.memref_slice %arg2[%dma_wait3A_256, %dma_wait3A_257] : memref<1000000x64xf32, #tpu.memory_space<hbm>> -> memref<1000000x64xf32, #tpu.memory_space<hbm>>
      tpu.wait_indirect_dma semaphore(%arg7 : memref<!tpu.dma_semaphore, #tpu.memory_space<semaphore_mem>>) src(%dma_wait3A_258 : memref<1000000x64xf32, #tpu.memory_space<hbm>>) dst(%dma_wait3A_254 : memref<128x64xf32, #tpu.memory_space<vmem>>)
      %add3A_259 = arith.addi %mul3A_2, %mul3A_13 : i32
      %add3A_260 = arith.constant 768 : i32
      %add3A_261 = arith.addi %add3A_259, %add3A_260 : i32
      %dma_start3A_262 = arith.constant 6 : i32
      %dma_start3A_263 = arith.constant 0 : i32
      %dma_start3A_264 = arith.constant 0 : i32
      %dma_start3A_265 = tpu.memref_slice %arg6[%dma_start3A_262, %dma_start3A_263, %dma_start3A_264] : memref<8x128x64xf32, #tpu.memory_space<vmem>> -> memref<1x128x64xf32, #tpu.memory_space<vmem>>
      %dma_start3A_266 = tpu.memref_squeeze %dma_start3A_265 : memref<1x128x64xf32, #tpu.memory_space<vmem>> -> memref<128x64xf32, #tpu.memory_space<vmem>>
      %dma_start3A_267 = arith.constant 0 : i32
      %dma_start3A_268 = tpu.memref_slice %arg4[%add3A_261, %dma_start3A_267] : memref<819200x64xf32, #tpu.memory_space<hbm>> -> memref<128x64xf32, #tpu.memory_space<hbm>>
      %dma_start3A_269 = arith.constant 0 : i32
      %dma_start3A_270 = tpu.memref_slice %arg4[%add3A_261, %dma_start3A_269] : memref<819200x64xf32, #tpu.memory_space<hbm>> -> memref<128x64xf32, #tpu.memory_space<hbm>>
      %dma_start3A_271 = arith.constant 0 : i32
      %dma_start3A_272 = arith.constant 0 : i32
      %dma_start3A_273 = tpu.memref_slice %arg6[%dma_start3A_262, %dma_start3A_271, %dma_start3A_272] : memref<8x128x64xf32, #tpu.memory_space<vmem>> -> memref<1x128x64xf32, #tpu.memory_space<vmem>>
      %dma_start3A_274 = tpu.memref_squeeze %dma_start3A_273 : memref<1x128x64xf32, #tpu.memory_space<vmem>> -> memref<128x64xf32, #tpu.memory_space<vmem>>
      tpu.enqueue_dma source(%dma_start3A_274 : memref<128x64xf32, #tpu.memory_space<vmem>>) target(%dma_start3A_270 : memref<128x64xf32, #tpu.memory_space<hbm>>) target_semaphore(%arg8 : memref<!tpu.dma_semaphore, #tpu.memory_space<semaphore_mem>>)
      %dma_wait3A_275 = arith.constant 7 : i32
      %dma_wait3A_276 = arith.constant 0 : i32
      %dma_wait3A_277 = arith.constant 0 : i32
      %dma_wait3A_278 = tpu.memref_slice %arg6[%dma_wait3A_275, %dma_wait3A_276, %dma_wait3A_277] : memref<8x128x64xf32, #tpu.memory_space<vmem>> -> memref<1x128x64xf32, #tpu.memory_space<vmem>>
      %dma_wait3A_279 = tpu.memref_squeeze %dma_wait3A_278 : memref<1x128x64xf32, #tpu.memory_space<vmem>> -> memref<128x64xf32, #tpu.memory_space<vmem>>
      %dma_wait3A_280 = tpu.memref_slice %arg5[%add3A_91] : memref<25600xi32, #tpu.memory_space<vmem>> -> memref<128xi32, #tpu.memory_space<vmem>>
      %dma_wait3A_281 = arith.constant 0 : i32
      %dma_wait3A_282 = arith.constant 0 : i32
      %dma_wait3A_283 = tpu.memref_slice %arg2[%dma_wait3A_281, %dma_wait3A_282] : memref<1000000x64xf32, #tpu.memory_space<hbm>> -> memref<1000000x64xf32, #tpu.memory_space<hbm>>
      tpu.wait_indirect_dma semaphore(%arg7 : memref<!tpu.dma_semaphore, #tpu.memory_space<semaphore_mem>>) src(%dma_wait3A_283 : memref<1000000x64xf32, #tpu.memory_space<hbm>>) dst(%dma_wait3A_279 : memref<128x64xf32, #tpu.memory_space<vmem>>)
      %add3A_284 = arith.addi %mul3A_2, %mul3A_13 : i32
      %add3A_285 = arith.constant 896 : i32
      %add3A_286 = arith.addi %add3A_284, %add3A_285 : i32
      %dma_start3A_287 = arith.constant 7 : i32
      %dma_start3A_288 = arith.constant 0 : i32
      %dma_start3A_289 = arith.constant 0 : i32
      %dma_start3A_290 = tpu.memref_slice %arg6[%dma_start3A_287, %dma_start3A_288, %dma_start3A_289] : memref<8x128x64xf32, #tpu.memory_space<vmem>> -> memref<1x128x64xf32, #tpu.memory_space<vmem>>
      %dma_start3A_291 = tpu.memref_squeeze %dma_start3A_290 : memref<1x128x64xf32, #tpu.memory_space<vmem>> -> memref<128x64xf32, #tpu.memory_space<vmem>>
      %dma_start3A_292 = arith.constant 0 : i32
      %dma_start3A_293 = tpu.memref_slice %arg4[%add3A_286, %dma_start3A_292] : memref<819200x64xf32, #tpu.memory_space<hbm>> -> memref<128x64xf32, #tpu.memory_space<hbm>>
      %dma_start3A_294 = arith.constant 0 : i32
      %dma_start3A_295 = tpu.memref_slice %arg4[%add3A_286, %dma_start3A_294] : memref<819200x64xf32, #tpu.memory_space<hbm>> -> memref<128x64xf32, #tpu.memory_space<hbm>>
      %dma_start3A_296 = arith.constant 0 : i32
      %dma_start3A_297 = arith.constant 0 : i32
      %dma_start3A_298 = tpu.memref_slice %arg6[%dma_start3A_287, %dma_start3A_296, %dma_start3A_297] : memref<8x128x64xf32, #tpu.memory_space<vmem>> -> memref<1x128x64xf32, #tpu.memory_space<vmem>>
      %dma_start3A_299 = tpu.memref_squeeze %dma_start3A_298 : memref<1x128x64xf32, #tpu.memory_space<vmem>> -> memref<128x64xf32, #tpu.memory_space<vmem>>
      tpu.enqueue_dma source(%dma_start3A_299 : memref<128x64xf32, #tpu.memory_space<vmem>>) target(%dma_start3A_295 : memref<128x64xf32, #tpu.memory_space<hbm>>) target_semaphore(%arg8 : memref<!tpu.dma_semaphore, #tpu.memory_space<semaphore_mem>>)
      %dma_wait3A_300 = arith.constant 0 : i32
      %dma_wait3A_301 = arith.constant 0 : i32
      %dma_wait3A_302 = arith.constant 0 : i32
      %dma_wait3A_303 = tpu.memref_slice %arg6[%dma_wait3A_300, %dma_wait3A_301, %dma_wait3A_302] : memref<8x128x64xf32, #tpu.memory_space<vmem>> -> memref<1x128x64xf32, #tpu.memory_space<vmem>>
      %dma_wait3A_304 = tpu.memref_squeeze %dma_wait3A_303 : memref<1x128x64xf32, #tpu.memory_space<vmem>> -> memref<128x64xf32, #tpu.memory_space<vmem>>
      %dma_wait3A_305 = arith.constant 0 : i32
      %dma_wait3A_306 = tpu.memref_slice %arg4[%add3A_111, %dma_wait3A_305] : memref<819200x64xf32, #tpu.memory_space<hbm>> -> memref<128x64xf32, #tpu.memory_space<hbm>>
      %dma_wait3A_307 = arith.constant 0 : i32
      %dma_wait3A_308 = tpu.memref_slice %arg4[%add3A_111, %dma_wait3A_307] : memref<819200x64xf32, #tpu.memory_space<hbm>> -> memref<128x64xf32, #tpu.memory_space<hbm>>
      %dma_wait3A_309 = arith.constant 0 : i32
      %dma_wait3A_310 = arith.constant 0 : i32
      %dma_wait3A_311 = tpu.memref_slice %arg6[%dma_wait3A_300, %dma_wait3A_309, %dma_wait3A_310] : memref<8x128x64xf32, #tpu.memory_space<vmem>> -> memref<1x128x64xf32, #tpu.memory_space<vmem>>
      %dma_wait3A_312 = tpu.memref_squeeze %dma_wait3A_311 : memref<1x128x64xf32, #tpu.memory_space<vmem>> -> memref<128x64xf32, #tpu.memory_space<vmem>>
      tpu.wait_dma2 semaphore(%arg8 : memref<!tpu.dma_semaphore, #tpu.memory_space<semaphore_mem>>) src(%dma_wait3A_312 : memref<128x64xf32, #tpu.memory_space<vmem>>) dst(%dma_wait3A_308 : memref<128x64xf32, #tpu.memory_space<hbm>>)
      %dma_wait3A_313 = arith.constant 1 : i32
      %dma_wait3A_314 = arith.constant 0 : i32
      %dma_wait3A_315 = arith.constant 0 : i32
      %dma_wait3A_316 = tpu.memref_slice %arg6[%dma_wait3A_313, %dma_wait3A_314, %dma_wait3A_315] : memref<8x128x64xf32, #tpu.memory_space<vmem>> -> memref<1x128x64xf32, #tpu.memory_space<vmem>>
      %dma_wait3A_317 = tpu.memref_squeeze %dma_wait3A_316 : memref<1x128x64xf32, #tpu.memory_space<vmem>> -> memref<128x64xf32, #tpu.memory_space<vmem>>
      %dma_wait3A_318 = arith.constant 0 : i32
      %dma_wait3A_319 = tpu.memref_slice %arg4[%add3A_136, %dma_wait3A_318] : memref<819200x64xf32, #tpu.memory_space<hbm>> -> memref<128x64xf32, #tpu.memory_space<hbm>>
      %dma_wait3A_320 = arith.constant 0 : i32
      %dma_wait3A_321 = tpu.memref_slice %arg4[%add3A_136, %dma_wait3A_320] : memref<819200x64xf32, #tpu.memory_space<hbm>> -> memref<128x64xf32, #tpu.memory_space<hbm>>
      %dma_wait3A_322 = arith.constant 0 : i32
      %dma_wait3A_323 = arith.constant 0 : i32
      %dma_wait3A_324 = tpu.memref_slice %arg6[%dma_wait3A_313, %dma_wait3A_322, %dma_wait3A_323] : memref<8x128x64xf32, #tpu.memory_space<vmem>> -> memref<1x128x64xf32, #tpu.memory_space<vmem>>
      %dma_wait3A_325 = tpu.memref_squeeze %dma_wait3A_324 : memref<1x128x64xf32, #tpu.memory_space<vmem>> -> memref<128x64xf32, #tpu.memory_space<vmem>>
      tpu.wait_dma2 semaphore(%arg8 : memref<!tpu.dma_semaphore, #tpu.memory_space<semaphore_mem>>) src(%dma_wait3A_325 : memref<128x64xf32, #tpu.memory_space<vmem>>) dst(%dma_wait3A_321 : memref<128x64xf32, #tpu.memory_space<hbm>>)
      %dma_wait3A_326 = arith.constant 2 : i32
      %dma_wait3A_327 = arith.constant 0 : i32
      %dma_wait3A_328 = arith.constant 0 : i32
      %dma_wait3A_329 = tpu.memref_slice %arg6[%dma_wait3A_326, %dma_wait3A_327, %dma_wait3A_328] : memref<8x128x64xf32, #tpu.memory_space<vmem>> -> memref<1x128x64xf32, #tpu.memory_space<vmem>>
      %dma_wait3A_330 = tpu.memref_squeeze %dma_wait3A_329 : memref<1x128x64xf32, #tpu.memory_space<vmem>> -> memref<128x64xf32, #tpu.memory_space<vmem>>
      %dma_wait3A_331 = arith.constant 0 : i32
      %dma_wait3A_332 = tpu.memref_slice %arg4[%add3A_161, %dma_wait3A_331] : memref<819200x64xf32, #tpu.memory_space<hbm>> -> memref<128x64xf32, #tpu.memory_space<hbm>>
      %dma_wait3A_333 = arith.constant 0 : i32
      %dma_wait3A_334 = tpu.memref_slice %arg4[%add3A_161, %dma_wait3A_333] : memref<819200x64xf32, #tpu.memory_space<hbm>> -> memref<128x64xf32, #tpu.memory_space<hbm>>
      %dma_wait3A_335 = arith.constant 0 : i32
      %dma_wait3A_336 = arith.constant 0 : i32
      %dma_wait3A_337 = tpu.memref_slice %arg6[%dma_wait3A_326, %dma_wait3A_335, %dma_wait3A_336] : memref<8x128x64xf32, #tpu.memory_space<vmem>> -> memref<1x128x64xf32, #tpu.memory_space<vmem>>
      %dma_wait3A_338 = tpu.memref_squeeze %dma_wait3A_337 : memref<1x128x64xf32, #tpu.memory_space<vmem>> -> memref<128x64xf32, #tpu.memory_space<vmem>>
      tpu.wait_dma2 semaphore(%arg8 : memref<!tpu.dma_semaphore, #tpu.memory_space<semaphore_mem>>) src(%dma_wait3A_338 : memref<128x64xf32, #tpu.memory_space<vmem>>) dst(%dma_wait3A_334 : memref<128x64xf32, #tpu.memory_space<hbm>>)
      %dma_wait3A_339 = arith.constant 3 : i32
      %dma_wait3A_340 = arith.constant 0 : i32
      %dma_wait3A_341 = arith.constant 0 : i32
      %dma_wait3A_342 = tpu.memref_slice %arg6[%dma_wait3A_339, %dma_wait3A_340, %dma_wait3A_341] : memref<8x128x64xf32, #tpu.memory_space<vmem>> -> memref<1x128x64xf32, #tpu.memory_space<vmem>>
      %dma_wait3A_343 = tpu.memref_squeeze %dma_wait3A_342 : memref<1x128x64xf32, #tpu.memory_space<vmem>> -> memref<128x64xf32, #tpu.memory_space<vmem>>
      %dma_wait3A_344 = arith.constant 0 : i32
      %dma_wait3A_345 = tpu.memref_slice %arg4[%add3A_186, %dma_wait3A_344] : memref<819200x64xf32, #tpu.memory_space<hbm>> -> memref<128x64xf32, #tpu.memory_space<hbm>>
      %dma_wait3A_346 = arith.constant 0 : i32
      %dma_wait3A_347 = tpu.memref_slice %arg4[%add3A_186, %dma_wait3A_346] : memref<819200x64xf32, #tpu.memory_space<hbm>> -> memref<128x64xf32, #tpu.memory_space<hbm>>
      %dma_wait3A_348 = arith.constant 0 : i32
      %dma_wait3A_349 = arith.constant 0 : i32
      %dma_wait3A_350 = tpu.memref_slice %arg6[%dma_wait3A_339, %dma_wait3A_348, %dma_wait3A_349] : memref<8x128x64xf32, #tpu.memory_space<vmem>> -> memref<1x128x64xf32, #tpu.memory_space<vmem>>
      %dma_wait3A_351 = tpu.memref_squeeze %dma_wait3A_350 : memref<1x128x64xf32, #tpu.memory_space<vmem>> -> memref<128x64xf32, #tpu.memory_space<vmem>>
      tpu.wait_dma2 semaphore(%arg8 : memref<!tpu.dma_semaphore, #tpu.memory_space<semaphore_mem>>) src(%dma_wait3A_351 : memref<128x64xf32, #tpu.memory_space<vmem>>) dst(%dma_wait3A_347 : memref<128x64xf32, #tpu.memory_space<hbm>>)
      %dma_wait3A_352 = arith.constant 4 : i32
      %dma_wait3A_353 = arith.constant 0 : i32
      %dma_wait3A_354 = arith.constant 0 : i32
      %dma_wait3A_355 = tpu.memref_slice %arg6[%dma_wait3A_352, %dma_wait3A_353, %dma_wait3A_354] : memref<8x128x64xf32, #tpu.memory_space<vmem>> -> memref<1x128x64xf32, #tpu.memory_space<vmem>>
      %dma_wait3A_356 = tpu.memref_squeeze %dma_wait3A_355 : memref<1x128x64xf32, #tpu.memory_space<vmem>> -> memref<128x64xf32, #tpu.memory_space<vmem>>
      %dma_wait3A_357 = arith.constant 0 : i32
      %dma_wait3A_358 = tpu.memref_slice %arg4[%add3A_211, %dma_wait3A_357] : memref<819200x64xf32, #tpu.memory_space<hbm>> -> memref<128x64xf32, #tpu.memory_space<hbm>>
      %dma_wait3A_359 = arith.constant 0 : i32
      %dma_wait3A_360 = tpu.memref_slice %arg4[%add3A_211, %dma_wait3A_359] : memref<819200x64xf32, #tpu.memory_space<hbm>> -> memref<128x64xf32, #tpu.memory_space<hbm>>
      %dma_wait3A_361 = arith.constant 0 : i32
      %dma_wait3A_362 = arith.constant 0 : i32
      %dma_wait3A_363 = tpu.memref_slice %arg6[%dma_wait3A_352, %dma_wait3A_361, %dma_wait3A_362] : memref<8x128x64xf32, #tpu.memory_space<vmem>> -> memref<1x128x64xf32, #tpu.memory_space<vmem>>
      %dma_wait3A_364 = tpu.memref_squeeze %dma_wait3A_363 : memref<1x128x64xf32, #tpu.memory_space<vmem>> -> memref<128x64xf32, #tpu.memory_space<vmem>>
      tpu.wait_dma2 semaphore(%arg8 : memref<!tpu.dma_semaphore, #tpu.memory_space<semaphore_mem>>) src(%dma_wait3A_364 : memref<128x64xf32, #tpu.memory_space<vmem>>) dst(%dma_wait3A_360 : memref<128x64xf32, #tpu.memory_space<hbm>>)
      %dma_wait3A_365 = arith.constant 5 : i32
      %dma_wait3A_366 = arith.constant 0 : i32
      %dma_wait3A_367 = arith.constant 0 : i32
      %dma_wait3A_368 = tpu.memref_slice %arg6[%dma_wait3A_365, %dma_wait3A_366, %dma_wait3A_367] : memref<8x128x64xf32, #tpu.memory_space<vmem>> -> memref<1x128x64xf32, #tpu.memory_space<vmem>>
      %dma_wait3A_369 = tpu.memref_squeeze %dma_wait3A_368 : memref<1x128x64xf32, #tpu.memory_space<vmem>> -> memref<128x64xf32, #tpu.memory_space<vmem>>
      %dma_wait3A_370 = arith.constant 0 : i32
      %dma_wait3A_371 = tpu.memref_slice %arg4[%add3A_236, %dma_wait3A_370] : memref<819200x64xf32, #tpu.memory_space<hbm>> -> memref<128x64xf32, #tpu.memory_space<hbm>>
      %dma_wait3A_372 = arith.constant 0 : i32
      %dma_wait3A_373 = tpu.memref_slice %arg4[%add3A_236, %dma_wait3A_372] : memref<819200x64xf32, #tpu.memory_space<hbm>> -> memref<128x64xf32, #tpu.memory_space<hbm>>
      %dma_wait3A_374 = arith.constant 0 : i32
      %dma_wait3A_375 = arith.constant 0 : i32
      %dma_wait3A_376 = tpu.memref_slice %arg6[%dma_wait3A_365, %dma_wait3A_374, %dma_wait3A_375] : memref<8x128x64xf32, #tpu.memory_space<vmem>> -> memref<1x128x64xf32, #tpu.memory_space<vmem>>
      %dma_wait3A_377 = tpu.memref_squeeze %dma_wait3A_376 : memref<1x128x64xf32, #tpu.memory_space<vmem>> -> memref<128x64xf32, #tpu.memory_space<vmem>>
      tpu.wait_dma2 semaphore(%arg8 : memref<!tpu.dma_semaphore, #tpu.memory_space<semaphore_mem>>) src(%dma_wait3A_377 : memref<128x64xf32, #tpu.memory_space<vmem>>) dst(%dma_wait3A_373 : memref<128x64xf32, #tpu.memory_space<hbm>>)
      %dma_wait3A_378 = arith.constant 6 : i32
      %dma_wait3A_379 = arith.constant 0 : i32
      %dma_wait3A_380 = arith.constant 0 : i32
      %dma_wait3A_381 = tpu.memref_slice %arg6[%dma_wait3A_378, %dma_wait3A_379, %dma_wait3A_380] : memref<8x128x64xf32, #tpu.memory_space<vmem>> -> memref<1x128x64xf32, #tpu.memory_space<vmem>>
      %dma_wait3A_382 = tpu.memref_squeeze %dma_wait3A_381 : memref<1x128x64xf32, #tpu.memory_space<vmem>> -> memref<128x64xf32, #tpu.memory_space<vmem>>
      %dma_wait3A_383 = arith.constant 0 : i32
      %dma_wait3A_384 = tpu.memref_slice %arg4[%add3A_261, %dma_wait3A_383] : memref<819200x64xf32, #tpu.memory_space<hbm>> -> memref<128x64xf32, #tpu.memory_space<hbm>>
      %dma_wait3A_385 = arith.constant 0 : i32
      %dma_wait3A_386 = tpu.memref_slice %arg4[%add3A_261, %dma_wait3A_385] : memref<819200x64xf32, #tpu.memory_space<hbm>> -> memref<128x64xf32, #tpu.memory_space<hbm>>
      %dma_wait3A_387 = arith.constant 0 : i32
      %dma_wait3A_388 = arith.constant 0 : i32
      %dma_wait3A_389 = tpu.memref_slice %arg6[%dma_wait3A_378, %dma_wait3A_387, %dma_wait3A_388] : memref<8x128x64xf32, #tpu.memory_space<vmem>> -> memref<1x128x64xf32, #tpu.memory_space<vmem>>
      %dma_wait3A_390 = tpu.memref_squeeze %dma_wait3A_389 : memref<1x128x64xf32, #tpu.memory_space<vmem>> -> memref<128x64xf32, #tpu.memory_space<vmem>>
      tpu.wait_dma2 semaphore(%arg8 : memref<!tpu.dma_semaphore, #tpu.memory_space<semaphore_mem>>) src(%dma_wait3A_390 : memref<128x64xf32, #tpu.memory_space<vmem>>) dst(%dma_wait3A_386 : memref<128x64xf32, #tpu.memory_space<hbm>>)
      %dma_wait3A_391 = arith.constant 7 : i32
      %dma_wait3A_392 = arith.constant 0 : i32
      %dma_wait3A_393 = arith.constant 0 : i32
      %dma_wait3A_394 = tpu.memref_slice %arg6[%dma_wait3A_391, %dma_wait3A_392, %dma_wait3A_393] : memref<8x128x64xf32, #tpu.memory_space<vmem>> -> memref<1x128x64xf32, #tpu.memory_space<vmem>>
      %dma_wait3A_395 = tpu.memref_squeeze %dma_wait3A_394 : memref<1x128x64xf32, #tpu.memory_space<vmem>> -> memref<128x64xf32, #tpu.memory_space<vmem>>
      %dma_wait3A_396 = arith.constant 0 : i32
      %dma_wait3A_397 = tpu.memref_slice %arg4[%add3A_286, %dma_wait3A_396] : memref<819200x64xf32, #tpu.memory_space<hbm>> -> memref<128x64xf32, #tpu.memory_space<hbm>>
      %dma_wait3A_398 = arith.constant 0 : i32
      %dma_wait3A_399 = tpu.memref_slice %arg4[%add3A_286, %dma_wait3A_398] : memref<819200x64xf32, #tpu.memory_space<hbm>> -> memref<128x64xf32, #tpu.memory_space<hbm>>
      %dma_wait3A_400 = arith.constant 0 : i32
      %dma_wait3A_401 = arith.constant 0 : i32
      %dma_wait3A_402 = tpu.memref_slice %arg6[%dma_wait3A_391, %dma_wait3A_400, %dma_wait3A_401] : memref<8x128x64xf32, #tpu.memory_space<vmem>> -> memref<1x128x64xf32, #tpu.memory_space<vmem>>
      %dma_wait3A_403 = tpu.memref_squeeze %dma_wait3A_402 : memref<1x128x64xf32, #tpu.memory_space<vmem>> -> memref<128x64xf32, #tpu.memory_space<vmem>>
      tpu.wait_dma2 semaphore(%arg8 : memref<!tpu.dma_semaphore, #tpu.memory_space<semaphore_mem>>) src(%dma_wait3A_403 : memref<128x64xf32, #tpu.memory_space<vmem>>) dst(%dma_wait3A_399 : memref<128x64xf32, #tpu.memory_space<hbm>>)
    }
    %scan3A_6 = arith.constant 25 : i32
    return
  }
}

</mosaic_0001>

<sc_bundles>
// kernel: kernel.3.cloned.1.call-start
scs
__scs_entry_jumppad:
0x0: {  	(pc) =	sbr.rel $0x88, $3  }
0x1: {  	(tag) =	ssettag $0x0;
	lr =	simm.s32 $0x1  }
0x2: {  	[smem:$0x3F9F] =	sst lr;
	_ =	strace $0xD0000000  }
0x3: {  	_ = 	snop  }
0x4: {  	_ = 	snop  }
0x5: {  	_ = 	snop  }
0x6: {  	_ = 	snop  }
0x7: {  	_ = 	snop  }
__scs_overlays_trampoline_lowered:
0x8: {  	[smem:$0x3FAE] =	sst s0  }
0x9: {  	[smem:$0x3FAF] =	sst s1  }
0xa: {  	[smem:$0x3FB0] =	sst s2  }
0xb: {  	[smem:$0x3FB1] =	sst s3  }
0xc: {  	[smem:$0x3FB2] =	sst s4  }
0xd: {  	[smem:$0x3FB3] =	sst s5  }
0xe: {  	[smem:$0x3FB4] =	sst s6  }
0xf: {  	[smem:$0x3FB5] =	sst s7  }
0x10: {  	[smem:$0x3FB6] =	sst s8  }
0x11: {  	[smem:$0x3FB7] =	sst s9;
	s0 =	simm.s32 @!p0 $0x0  }
0x12: {  	s1 =	sld [smem:$0x3F9D];
	s0 =	simm.s32 @p0 $0x1  }
0x13: {  	[smem:$0x3FB8] =	sst s0;
	s0 =	simm.s32 @!p1 $0x0  }
0x14: {  	s2 =	sld [smem:$0x3F9C];
	s0 =	simm.s32 @p1 $0x1  }
0x15: {  	[smem:$0x3FB9] =	sst s0;
	s0 =	simm.s32 @!p2 $0x0  }
0x16: {  	s3 =	sld [smem:$0x3FDB];
	s0 =	simm.s32 @p2 $0x1  }
0x17: {  	s4 =	simm.s32 $0x1BF5;
	[smem:$0x3FBB] =	sst s0  }
0x18: {  	s0 =	sld [smem:$0x3F9E];
	_ =	swait.ge [sflag:s4], $0x0  }
0x19: {  	s7 =	sld [smem:$0x3F9F]  }
0x1a: {  	s8 =	sadd.s32 $0xFFFFE003, lr  }
0x1b: {  	s9 =	sadd.s32 $0xFFFFFEF7, lr;
	s5 =	simm.s32 $0xFFFFFFFF;
	p2 =	slt.u32 s8, $0xFFFFF086  }
0x1c: {  	p1 =	slt.u32 s9, $0xF7A;
	s5 =	simm.s32 @!p2 $0x0  }
0x1d: {  	s5 =	simm.s32 @p1 $0x1;
	p0 =	seq.s32 s7, s2  }
0x1e: {  	s7 =	smul.u32 @!p0 $0xF7A, s2;
	p2 =	seq.s32 @!p0 s5, $0x0  }
0x1f: {  	s9 =	smul.u32 $0xF7A, s1;
	s8 =	simm.s32 @!p0 $0x1BF5;
	p2 =	por !p2, p0  }
0x20: {  	[sflag:s8] =	ssyncset.s32 @!p0 $0xFFFFF086;
	s6 =	sadd.s32 @!p0 s3, s7;
	s7 =	simm.s32 @!p0 $0x108  }
0x21: {  	s3 =	sadd.s32 s3, s9;
	s6 =	sadd.s32 @!p0 $0x88, s6;
	s7 =	simm.s32 @p2 $0x1082  }
0x22: {  	[simem:s7], [sflag:s8] =	dma.local @!p0 [hbm:s6], $0xF7A  }
0x23: {  	s9 =	sor.u32 $0xD0000000, s2;
	s6 =	simm.s32 $0x108;
	_ =	swait.ge @!p0 [sflag:s8], $0x0  }
0x24: {  	s3 =	sadd.s32 $0x88, s3;
	s6 =	simm.s32 @!p1 $0x1082;
	[sflag:s4] =	ssyncset.s32 $0xFFFFF086  }
0x25: {  	[simem:s6], [sflag:s4] =	dma.local [hbm:s3], $0xF7A  }
0x26: {  	[smem:$0x3F9F] =	sst s1;
	(tag) =	ssettag s2;
	_ =	strace s9  }
0x27: {  	s1 =	sld [smem:$0x3FAF]  }
0x28: {  	s2 =	sld [smem:$0x3FB0]  }
0x29: {  	s4 =	sld [smem:$0x3FB2]  }
0x2a: {  	p0 =	seq.s32 s5, $0x0;
	s5 =	sld [smem:$0x3FB3]  }
0x2b: {  	s6 =	sld [smem:$0x3FB4]  }
0x2c: {  	s7 =	sld [smem:$0x3FB5]  }
0x2d: {  	s3 =	simm.s32 $0x108;
	s8 =	sld [smem:$0x3FB6]  }
0x2e: {  	s3 =	simm.s32 @!p0 $0x1082;
	s9 =	sld [smem:$0x3FB7]  }
0x2f: {  	lr =	sadd.s32 s0, s3;
	s0 =	sld [smem:$0x3FAE]  }
0x30: {  	s3 =	sld [smem:$0x3FB1]  }
0x31: {  	[smem:$0x3FBA] =	sst s10  }
0x32: {  	s10 =	sld [smem:$0x3FB8];
	_ =	sdelay $0x3  }
0x33: {  	p0 =	seq.s32 s10, $0x1;
	s10 =	sld [smem:$0x3FBA];
	_ =	sdelay $0x3  }
0x34: {  	[smem:$0x3FBA] =	sst s10  }
0x35: {  	s10 =	sld [smem:$0x3FB9];
	_ =	sdelay $0x3  }
0x36: {  	p1 =	seq.s32 s10, $0x1;
	s10 =	sld [smem:$0x3FBA];
	_ =	sdelay $0x3  }
0x37: {  	[smem:$0x3FBA] =	sst s10  }
0x38: {  	s10 =	sld [smem:$0x3FBB]  }
0x39: {  	_ = 	snop;
	(pc) =	sbr.ind lr, $3  }
0x3a: {  	_ = 	snop  }
0x3b: {  	_ = 	snop  }
0x3c: {  	p2 =	seq.s32 s10, $0x1;
	s10 =	sld [smem:$0x3FBA]  }
0x3d: {  	_ =	shalt  }
0x3e: {  	_ =	shalt  }
0x3f: {  	_ =	shalt  }
0x40: {  	_ =	shalt  }
0x41: {  	_ =	shalt  }
0x42: {  	_ =	shalt  }
0x43: {  	_ =	shalt  }
0x44: {  	_ =	shalt  }
0x45: {  	_ =	shalt  }
0x46: {  	_ =	shalt  }
0x47: {  	_ =	shalt  }
0x48: {  	_ =	shalt  }
0x49: {  	_ =	shalt  }
0x4a: {  	_ =	shalt  }
0x4b: {  	_ =	shalt  }
0x4c: {  	_ =	shalt  }
0x4d: {  	_ =	shalt  }
0x4e: {  	_ =	shalt  }
0x4f: {  	_ =	shalt  }
0x50: {  	_ =	shalt  }
0x51: {  	_ =	shalt  }
0x52: {  	_ =	shalt  }
0x53: {  	_ =	shalt  }
0x54: {  	_ =	shalt  }
0x55: {  	_ =	shalt  }
0x56: {  	_ =	shalt  }
0x57: {  	_ =	shalt  }
0x58: {  	_ =	shalt  }
0x59: {  	_ =	shalt  }
0x5a: {  	_ =	shalt  }
0x5b: {  	_ =	shalt  }
0x5c: {  	_ =	shalt  }
0x5d: {  	_ =	shalt  }
0x5e: {  	_ =	shalt  }
0x5f: {  	_ =	shalt  }
0x60: {  	_ =	shalt  }
0x61: {  	_ =	shalt  }
0x62: {  	_ =	shalt  }
0x63: {  	_ =	shalt  }
0x64: {  	_ =	shalt  }
0x65: {  	_ =	shalt  }
0x66: {  	_ =	shalt  }
0x67: {  	_ =	shalt  }
0x68: {  	_ =	shalt  }
0x69: {  	_ =	shalt  }
0x6a: {  	_ =	shalt  }
0x6b: {  	_ =	shalt  }
0x6c: {  	_ =	shalt  }
0x6d: {  	_ =	shalt  }
0x6e: {  	_ =	shalt  }
0x6f: {  	_ =	shalt  }
0x70: {  	_ =	shalt  }
0x71: {  	_ =	shalt  }
0x72: {  	_ =	shalt  }
0x73: {  	_ =	shalt  }
0x74: {  	_ =	shalt  }
0x75: {  	_ =	shalt  }
0x76: {  	_ =	shalt  }
0x77: {  	_ =	shalt  }
0x78: {  	_ =	shalt  }
0x79: {  	_ =	shalt  }
0x7a: {  	_ =	shalt  }
0x7b: {  	_ =	shalt  }
0x7c: {  	_ =	shalt  }
0x7d: {  	_ =	shalt  }
0x7e: {  	_ =	shalt  }
0x7f: {  	_ =	shalt  }
0x80: {  	_ =	shalt  }
0x81: {  	_ =	shalt  }
0x82: {  	_ =	shalt  }
0x83: {  	_ =	shalt  }
0x84: {  	_ =	shalt  }
0x85: {  	_ =	shalt  }
0x86: {  	_ =	shalt  }
0x87: {  	_ =	shalt  }
.Lfunc_end0:
.L_simem_size_0:
called_computation.1_lowered:
.L_overlay_start_0:
0x88: {  	s2 =	sld [smem:$0x3FD9]  }
0x89: {  	s3 =	sld [smem:$0x3FFE];
	_ =	sdelay $0x1  }
0x8a: {  	s1 =	srdreg.scid  }
0x8b: {  	s0 =	sand.u32 $0x1, s1  }
0x8c: {  	s17 =	sshll.u32 s0, $0xA;
	s2 =	sadd.s32 s3, s2  }
0x8d: {  	s2 =	sadd.s32 s2, s17  }
0x8e: {  	[smem:$0x3FC6] =	sst s2  }
0x8f: {  	_ = 	snop  }
0x90: {  	s2 =	sld [smem:$0x3FD0];
	(tm) =	ssettm $0x1  }
0x91: {  	s18 =	sld [smem:$0x3FFB];
	_ =	sdelay $0x3  }
0x92: {  	_ =	strace s18  }
0x93: {  	s3 =	sld [smem:$0x3FFC];
	_ =	sdelay $0x3  }
0x94: {  	_ =	strace s3  }
0x95: {  	s3 =	sld [smem:$0x3FFD];
	_ =	sdelay $0x3  }
0x96: {  	_ =	strace s3  }
0x97: {  	_ =	strace $0x8FFFFFFF  }
0x98: {  	s19 =	sld [smem:$0x3FDB];
	_ =	sdelay $0x1  }
0x99: {  	s4 =	simm.s32 $_scs_section_size  }
0x9a: {  	s5 =	simm.s32 $_size__tile_overlayer_lowered;
	s6 =	simm.s32 $_tile_overlayer_lowered  }
0x9b: {  	s22 =	simm.s32 $0x1BFF;
	s21 =	sshll.u32 s6, $0x1;
	s3 =	sadd.s32 s4, s19  }
0x9c: {  	s7 =	simm.s32 $0x0;
	s20 =	sshll.u32 s5, $0x1;
	s5 =	sadd.s32 s21, s3  }
0x9d: {  	[timem:s7], [sflag:s22] =	dma.local [hbm:s5], s20  }
0x9e: {  	_ =	swait.ge [sflag:s22], s20  }
0x9f: {  	s4 =	ssub.s32 $0x0, s20;
	[sflag:s22] =	ssyncset.done $0x0  }
0xa0: {  	[sflag:s22] =	ssyncadd.s32 s4;
	_ =	sdelay $0x1  }
0xa1: {  	s23 =	simm.s32 $0x1B8B  }
0xa2: {  	_ =	swait.ge [sflag:s23], $0x1  }
0xa3: {  	[sflag:s23] =	ssyncset.done $0x0  }
0xa4: {  	s25 =	simm.s32 $0x1B8E;
	s24 =	sld [smem:$0x3FFE];
	[sflag:s23] =	ssyncadd.s32 $0xFFFFFFFF  }
0xa5: {  	s26 =	simm.s32 $execute0_lowered;
	[smem:$0x3FD2] =	sst s25  }
0xa6: {  	s5 =	sshll.u32 s26, $0x1;
	_ =	strace $0x80000046;
	[dreg:$0x1] =	wrdreg $0xFFFFFFFF  }
0xa7: {  	s28 =	simm.s32 $_size_execute0_lowered;
	s3 =	sadd.s32 s3, s5;
	[dreg:$0x0] =	wrdreg $0x0  }
0xa8: {  	s5 =	sshll.u32 s28, $0x1;
	[dreg:$0x2] =	wrdreg s3  }
0xa9: {  	[dreg:$0x3] =	wrdreg s5  }
0xaa: {  	[dreg:$0x4] =	wrdreg $0xC0  }
0xab: {  	_ =	task [dreg:s7], $0x5FFFF  }
0xac: {  	[dreg:$0x1] =	wrdreg $0xFFFFFFFF  }
0xad: {  	[dreg:$0x0] =	wrdreg $0x60  }
0xae: {  	[dreg:$0x2] =	wrdreg s24  }
0xaf: {  	[dreg:$0x3] =	wrdreg s2  }
0xb0: {  	[dreg:$0x4] =	wrdreg $0x9  }
0xb1: {  	_ =	task.clear_ibuf [dreg:s7], $0x5FFFF;
	_ =	strace $0x90000046  }
0xb2: {  	s29 =	simm.s32 $0x9;
	_ =	strace $0x80000048  }
0xb3: {  	_ =	swait.ge [sflag:s29], $0x1  }
0xb4: {  	[sflag:s29] =	ssyncadd.s32 $0xFFFFFFFF  }
0xb5: {  	_ =	strace $0x90000048  }
0xb6: {  	_ =	sfence  }
0xb7: {  	s30 =	sld [smem:$0x0];
	_ =	sdelay $0x2  }
0xb8: {  	s31 =	sshll.u32 s1, $0xD;
	s1 =	sshrl.u32 s1, $0x2  }
0xb9: {  	s3 =	sand.u32 $0x4000, s31;
	s1 =	sadd.s32 s1, s30  }
0xba: {  	s0 =	sor.u32 s3, s0;
	s1 =	sshll.u32 s1, $0x11  }
0xbb: {  	s0 =	sor.u32 s1, s0  }
0xbc: {  	s0 =	sadd.s32 $0x8F2B, s0  }
0xbd: {  	[sflag:s0] =	ssyncadd.remote.s32 $0x1  }
0xbe: {  	_ =	sfence.sel $0xFFFF  }
0xbf: {  	[dreg:$0x0] =	wrdreg $0xFFFFFFFF;
	(pc) =	sbr.abs _section_cstart, $3  }
0xc0: {  	[dreg:$0x1] =	wrdreg $0xFFFFFFFF  }
0xc1: {  	_ =	task.clear_ibuf [dreg:s7], $0x2FFFF;
	_ =	strace $0x9FFFFFFF  }
0xc2: {  	(tm) =	ssettm $0x7FFFFFFF  }
0xc3: {  	_ =	shalt  }
tec
execute0_lowered:
.L_overlay_start_1:
0x0: {  	(tag) =	ssettag $0x1  }
0x1: {  	s4 =	rddreg [dreg:$0x0];
	s1 =	srdreg.scid  }
0x2: {  	s0 =	stileid.u32;
	s5 =	rddreg [dreg:$0x1]  }
0x3: {  	s2 =	simm.s32 $0x0;
	s10 =	simm.s32 $0x8400;
	s11 =	simm.s32 $0xA400  }
0x4: {  	s12 =	simm.s32 $0xC400;
	s13 =	simm.s32 $0xE400;
	s14 =	simm.s32 $0x10400  }
0x5: {  	s15 =	simm.s32 $0x12400;
	s16 =	simm.s32 $0x14400;
	s17 =	simm.s32 $0x1  }
0x6: {  	s18 =	simm.s32 $0x2;
	s19 =	simm.s32 $0x0;
	s6 =	sand.u32 $0x1, s1  }
0x7: {  	s3 =	sshll.u32 s0, $0x1;
	[smem:$0x7FF] =	sst s2;
	s9 =	smul.u32 $0x64000, s0  }
0x8: {  	s3 =	sor.u32 s6, s3;
	s8 =	ssub.s32 $0x2, s6;
	s6 =	smul.u32 $0x32000, s6  }
0x9: {  	s1 =	rddreg [dreg:$0x2];
	_ =	strace $0x80000047;
	s7 =	smul.u32 $0x6400, s3  }
0xa: {  	s3 =	sadd.s32 $0xF42E00, s4;
	s30 =	sshrl.u32 s8, $0x1;
	s31 =	sadd.s32 s9, s5  }
0xb: {  	s9 =	simm.s32 $0x6400;
	s6 =	sadd.s32 s6, s31;
	s7 =	sshrl.u32 s7, $0x3  }
0xc: {  	s4 =	sadd.s32 s7, s4;
	s7 =	ssub.s32 s8, s30;
	s8 =	simm.s32 $0x80  }
0xd: {  	s4 =	sadd.s32 $0xA00, s4;
	s5 =	smax.u32 s7, $0x1;
	s7 =	simm.s32 $0x3  }
.LBB2_1:
0xe: {  	[tilespmem:s2], [sflag:$0x3] =	stream.linear.gather [hbm4b:s4+s2], $0x6400, $0x38;
	[tilespmem:$0x16400] =	vst v63  }
0xf: {  	_ =	swait.ge [sflag:s7], $0x6400  }
0x10: {  	[sflag:s7] =	ssyncset.done $0x0  }
0x11: {  	s20 =	simm.s32 $0x0;
	[sflag:s7] =	ssyncadd.s32 $0xFFFF9C00  }
0x12: {  	[tilespmem:s9], [sflag:$0x1] =	stream.indirect.gather [hbm4b:s3+s8], $0x40, s20, s8, $0xb8;
	[tilespmem:$0x16400] =	vst v63  }
0x13: {  	s28 =	simm.s32 $0x80  }
0x14: {  	[tilespmem:s10], [sflag:$0x1] =	stream.indirect.gather [hbm4b:s3+s8], $0x40, s28, s8, $0xb8;
	[tilespmem:$0x16400] =	vst v63  }
0x15: {  	s29 =	simm.s32 $0x100  }
0x16: {  	[tilespmem:s11], [sflag:$0x1] =	stream.indirect.gather [hbm4b:s3+s8], $0x40, s29, s8, $0xb8;
	[tilespmem:$0x16400] =	vst v63  }
0x17: {  	s30 =	simm.s32 $0x180  }
0x18: {  	[tilespmem:s12], [sflag:$0x1] =	stream.indirect.gather [hbm4b:s3+s8], $0x40, s30, s8, $0xb8;
	[tilespmem:$0x16400] =	vst v63  }
0x19: {  	s31 =	simm.s32 $0x200  }
0x1a: {  	[tilespmem:s13], [sflag:$0x1] =	stream.indirect.gather [hbm4b:s3+s8], $0x40, s31, s8, $0xb8;
	[tilespmem:$0x16400] =	vst v63  }
0x1b: {  	s21 =	simm.s32 $0x280  }
0x1c: {  	[tilespmem:s14], [sflag:$0x1] =	stream.indirect.gather [hbm4b:s3+s8], $0x40, s21, s8, $0xb8;
	[tilespmem:$0x16400] =	vst v63  }
0x1d: {  	s22 =	simm.s32 $0x300  }
0x1e: {  	[tilespmem:s15], [sflag:$0x1] =	stream.indirect.gather [hbm4b:s3+s8], $0x40, s22, s8, $0xb8;
	[tilespmem:$0x16400] =	vst v63  }
0x1f: {  	s23 =	simm.s32 $0x380  }
0x20: {  	[tilespmem:s16], [sflag:$0x1] =	stream.indirect.gather [hbm4b:s3+s8], $0x40, s23, s8, $0xb8;
	[tilespmem:$0x16400] =	vst v63  }
0x21: {  	_ =	swait.ge [sflag:s17], $0x2000  }
0x22: {  	[sflag:s17] =	ssyncset.done $0x0  }
0x23: {  	[sflag:s17] =	ssyncadd.s32 $0xFFFFE000  }
0x24: {  	[hbm4b:s6+s2] =	stream.linear.scatter [tilespmem:s9], [sflag:$0x2], $0x2000, $0x38;
	[tilespmem:$0x16400] =	vst v63  }
0x25: {  	_ =	swait.ge [sflag:s17], $0x2000  }
0x26: {  	[sflag:s17] =	ssyncset.done $0x0  }
0x27: {  	s24 =	sadd.s32 $0x400, s6;
	[sflag:s17] =	ssyncadd.s32 $0xFFFFE000  }
0x28: {  	[hbm4b:s24+s2] =	stream.linear.scatter [tilespmem:s10], [sflag:$0x2], $0x2000, $0x38;
	[tilespmem:$0x16400] =	vst v63  }
0x29: {  	_ =	swait.ge [sflag:s17], $0x2000  }
0x2a: {  	[sflag:s17] =	ssyncset.done $0x0  }
0x2b: {  	s25 =	sadd.s32 $0x800, s6;
	[sflag:s17] =	ssyncadd.s32 $0xFFFFE000  }
0x2c: {  	[hbm4b:s25+s2] =	stream.linear.scatter [tilespmem:s11], [sflag:$0x2], $0x2000, $0x38;
	[tilespmem:$0x16400] =	vst v63  }
0x2d: {  	_ =	swait.ge [sflag:s17], $0x2000  }
0x2e: {  	[sflag:s17] =	ssyncset.done $0x0  }
0x2f: {  	s26 =	sadd.s32 $0xC00, s6;
	[sflag:s17] =	ssyncadd.s32 $0xFFFFE000  }
0x30: {  	[hbm4b:s26+s2] =	stream.linear.scatter [tilespmem:s12], [sflag:$0x2], $0x2000, $0x38;
	[tilespmem:$0x16400] =	vst v63  }
0x31: {  	_ =	swait.ge [sflag:s17], $0x2000  }
0x32: {  	[sflag:s17] =	ssyncset.done $0x0  }
0x33: {  	s28 =	sadd.s32 $0x1000, s6;
	[sflag:s17] =	ssyncadd.s32 $0xFFFFE000  }
0x34: {  	[hbm4b:s28+s2] =	stream.linear.scatter [tilespmem:s13], [sflag:$0x2], $0x2000, $0x38;
	[tilespmem:$0x16400] =	vst v63  }
0x35: {  	_ =	swait.ge [sflag:s17], $0x2000  }
0x36: {  	[sflag:s17] =	ssyncset.done $0x0  }
0x37: {  	s29 =	sadd.s32 $0x1400, s6;
	[sflag:s17] =	ssyncadd.s32 $0xFFFFE000  }
0x38: {  	[hbm4b:s29+s2] =	stream.linear.scatter [tilespmem:s14], [sflag:$0x2], $0x2000, $0x38;
	[tilespmem:$0x16400] =	vst v63  }
0x39: {  	_ =	swait.ge [sflag:s17], $0x2000  }
0x3a: {  	[sflag:s17] =	ssyncset.done $0x0  }
0x3b: {  	s30 =	sadd.s32 $0x1800, s6;
	[sflag:s17] =	ssyncadd.s32 $0xFFFFE000  }
0x3c: {  	[hbm4b:s30+s2] =	stream.linear.scatter [tilespmem:s15], [sflag:$0x2], $0x2000, $0x38;
	[tilespmem:$0x16400] =	vst v63  }
0x3d: {  	_ =	swait.ge [sflag:s17], $0x2000  }
0x3e: {  	[sflag:s17] =	ssyncset.done $0x0  }
0x3f: {  	s31 =	sadd.s32 $0x1C00, s6;
	[sflag:s17] =	ssyncadd.s32 $0xFFFFE000  }
0x40: {  	[hbm4b:s31+s2] =	stream.linear.scatter [tilespmem:s16], [sflag:$0x2], $0x2000, $0x38;
	[tilespmem:$0x16400] =	vst v63  }
0x41: {  	_ =	swait.ge [sflag:s18], $0x2000  }
0x42: {  	[sflag:s18] =	ssyncset.done $0x0  }
0x43: {  	[sflag:s18] =	ssyncadd.s32 $0xFFFFE000  }
0x44: {  	_ =	swait.ge [sflag:s18], $0x2000  }
0x45: {  	[sflag:s18] =	ssyncset.done $0x0  }
0x46: {  	[sflag:s18] =	ssyncadd.s32 $0xFFFFE000  }
0x47: {  	_ =	swait.ge [sflag:s18], $0x2000  }
0x48: {  	[sflag:s18] =	ssyncset.done $0x0  }
0x49: {  	[sflag:s18] =	ssyncadd.s32 $0xFFFFE000  }
0x4a: {  	_ =	swait.ge [sflag:s18], $0x2000  }
0x4b: {  	[sflag:s18] =	ssyncset.done $0x0  }
0x4c: {  	[sflag:s18] =	ssyncadd.s32 $0xFFFFE000  }
0x4d: {  	_ =	swait.ge [sflag:s18], $0x2000  }
0x4e: {  	[sflag:s18] =	ssyncset.done $0x0  }
0x4f: {  	[sflag:s18] =	ssyncadd.s32 $0xFFFFE000  }
0x50: {  	_ =	swait.ge [sflag:s18], $0x2000  }
0x51: {  	[sflag:s18] =	ssyncset.done $0x0  }
0x52: {  	[sflag:s18] =	ssyncadd.s32 $0xFFFFE000  }
0x53: {  	_ =	swait.ge [sflag:s18], $0x2000  }
0x54: {  	[sflag:s18] =	ssyncset.done $0x0  }
0x55: {  	[sflag:s18] =	ssyncadd.s32 $0xFFFFE000  }
0x56: {  	s20 =	sadd.s32 $0x2000, s6;
	_ =	swait.ge [sflag:s18], $0x2000  }
0x57: {  	s21 =	simm.s32 $0x1000;
	s23 =	simm.s32 $0x2000;
	[sflag:s18] =	ssyncset.done $0x0  }
.LBB2_2:
0x58: {  	s24 =	sshra.s32 s21, $0x2  }
0x59: {  	[sflag:s18] =	ssyncadd.s32 $0xFFFFE000;
	s21 =	smov.u32 s23;
	s22 =	sadd.s32 $0x1000, s23  }
0x5a: {  	[tilespmem:s9], [sflag:$0x1] =	stream.indirect.gather [hbm4b:s3+s8], $0x40, s24, s8, $0xb8;
	[tilespmem:$0x16400] =	vst v63  }
0x5b: {  	p0 =	sne.s32 s23, $0x18000;
	s23 =	sadd.s32 $0x80, s24  }
0x5c: {  	[tilespmem:s10], [sflag:$0x1] =	stream.indirect.gather [hbm4b:s3+s8], $0x40, s23, s8, $0xb8;
	[tilespmem:$0x16400] =	vst v63  }
0x5d: {  	s23 =	sadd.s32 $0x100, s24  }
0x5e: {  	[tilespmem:s11], [sflag:$0x1] =	stream.indirect.gather [hbm4b:s3+s8], $0x40, s23, s8, $0xb8;
	[tilespmem:$0x16400] =	vst v63  }
0x5f: {  	s23 =	sadd.s32 $0x180, s24  }
0x60: {  	[tilespmem:s12], [sflag:$0x1] =	stream.indirect.gather [hbm4b:s3+s8], $0x40, s23, s8, $0xb8;
	[tilespmem:$0x16400] =	vst v63  }
0x61: {  	s23 =	sadd.s32 $0x200, s24  }
0x62: {  	[tilespmem:s13], [sflag:$0x1] =	stream.indirect.gather [hbm4b:s3+s8], $0x40, s23, s8, $0xb8;
	[tilespmem:$0x16400] =	vst v63  }
0x63: {  	s23 =	sadd.s32 $0x280, s24  }
0x64: {  	[tilespmem:s14], [sflag:$0x1] =	stream.indirect.gather [hbm4b:s3+s8], $0x40, s23, s8, $0xb8;
	[tilespmem:$0x16400] =	vst v63  }
0x65: {  	s23 =	sadd.s32 $0x300, s24  }
0x66: {  	[tilespmem:s15], [sflag:$0x1] =	stream.indirect.gather [hbm4b:s3+s8], $0x40, s23, s8, $0xb8;
	[tilespmem:$0x16400] =	vst v63  }
0x67: {  	s23 =	sadd.s32 $0x380, s24  }
0x68: {  	[tilespmem:s16], [sflag:$0x1] =	stream.indirect.gather [hbm4b:s3+s8], $0x40, s23, s8, $0xb8;
	[tilespmem:$0x16400] =	vst v63  }
0x69: {  	_ =	swait.ge [sflag:s17], $0x2000  }
0x6a: {  	[sflag:s17] =	ssyncset.done $0x0  }
0x6b: {  	[sflag:s17] =	ssyncadd.s32 $0xFFFFE000  }
0x6c: {  	[hbm4b:s20+s2] =	stream.linear.scatter [tilespmem:s9], [sflag:$0x2], $0x2000, $0x38;
	[tilespmem:$0x16400] =	vst v63  }
0x6d: {  	_ =	swait.ge [sflag:s17], $0x2000  }
0x6e: {  	[sflag:s17] =	ssyncset.done $0x0  }
0x6f: {  	s23 =	sadd.s32 $0x400, s20;
	[sflag:s17] =	ssyncadd.s32 $0xFFFFE000  }
0x70: {  	[hbm4b:s23+s2] =	stream.linear.scatter [tilespmem:s10], [sflag:$0x2], $0x2000, $0x38;
	[tilespmem:$0x16400] =	vst v63  }
0x71: {  	_ =	swait.ge [sflag:s17], $0x2000  }
0x72: {  	[sflag:s17] =	ssyncset.done $0x0  }
0x73: {  	s23 =	sadd.s32 $0x800, s20;
	[sflag:s17] =	ssyncadd.s32 $0xFFFFE000  }
0x74: {  	[hbm4b:s23+s2] =	stream.linear.scatter [tilespmem:s11], [sflag:$0x2], $0x2000, $0x38;
	[tilespmem:$0x16400] =	vst v63  }
0x75: {  	_ =	swait.ge [sflag:s17], $0x2000  }
0x76: {  	[sflag:s17] =	ssyncset.done $0x0  }
0x77: {  	s23 =	sadd.s32 $0xC00, s20;
	[sflag:s17] =	ssyncadd.s32 $0xFFFFE000  }
0x78: {  	[hbm4b:s23+s2] =	stream.linear.scatter [tilespmem:s12], [sflag:$0x2], $0x2000, $0x38;
	[tilespmem:$0x16400] =	vst v63  }
0x79: {  	_ =	swait.ge [sflag:s17], $0x2000  }
0x7a: {  	[sflag:s17] =	ssyncset.done $0x0  }
0x7b: {  	s23 =	sadd.s32 $0x1000, s20;
	[sflag:s17] =	ssyncadd.s32 $0xFFFFE000  }
0x7c: {  	[hbm4b:s23+s2] =	stream.linear.scatter [tilespmem:s13], [sflag:$0x2], $0x2000, $0x38;
	[tilespmem:$0x16400] =	vst v63  }
0x7d: {  	_ =	swait.ge [sflag:s17], $0x2000  }
0x7e: {  	[sflag:s17] =	ssyncset.done $0x0  }
0x7f: {  	s23 =	sadd.s32 $0x1400, s20;
	[sflag:s17] =	ssyncadd.s32 $0xFFFFE000  }
0x80: {  	[hbm4b:s23+s2] =	stream.linear.scatter [tilespmem:s14], [sflag:$0x2], $0x2000, $0x38;
	[tilespmem:$0x16400] =	vst v63  }
0x81: {  	_ =	swait.ge [sflag:s17], $0x2000  }
0x82: {  	[sflag:s17] =	ssyncset.done $0x0  }
0x83: {  	s23 =	sadd.s32 $0x1800, s20;
	[sflag:s17] =	ssyncadd.s32 $0xFFFFE000  }
0x84: {  	[hbm4b:s23+s2] =	stream.linear.scatter [tilespmem:s15], [sflag:$0x2], $0x2000, $0x38;
	[tilespmem:$0x16400] =	vst v63  }
0x85: {  	_ =	swait.ge [sflag:s17], $0x2000  }
0x86: {  	[sflag:s17] =	ssyncset.done $0x0  }
0x87: {  	s23 =	sadd.s32 $0x1C00, s20;
	[sflag:s17] =	ssyncadd.s32 $0xFFFFE000  }
0x88: {  	[hbm4b:s23+s2] =	stream.linear.scatter [tilespmem:s16], [sflag:$0x2], $0x2000, $0x38;
	[tilespmem:$0x16400] =	vst v63  }
0x89: {  	_ =	swait.ge [sflag:s18], $0x2000  }
0x8a: {  	[sflag:s18] =	ssyncset.done $0x0  }
0x8b: {  	[sflag:s18] =	ssyncadd.s32 $0xFFFFE000  }
0x8c: {  	_ =	swait.ge [sflag:s18], $0x2000  }
0x8d: {  	[sflag:s18] =	ssyncset.done $0x0  }
0x8e: {  	[sflag:s18] =	ssyncadd.s32 $0xFFFFE000  }
0x8f: {  	_ =	swait.ge [sflag:s18], $0x2000  }
0x90: {  	[sflag:s18] =	ssyncset.done $0x0  }
0x91: {  	[sflag:s18] =	ssyncadd.s32 $0xFFFFE000  }
0x92: {  	_ =	swait.ge [sflag:s18], $0x2000  }
0x93: {  	[sflag:s18] =	ssyncset.done $0x0  }
0x94: {  	[sflag:s18] =	ssyncadd.s32 $0xFFFFE000  }
0x95: {  	_ =	swait.ge [sflag:s18], $0x2000  }
0x96: {  	[sflag:s18] =	ssyncset.done $0x0  }
0x97: {  	[sflag:s18] =	ssyncadd.s32 $0xFFFFE000  }
0x98: {  	_ =	swait.ge [sflag:s18], $0x2000  }
0x99: {  	[sflag:s18] =	ssyncset.done $0x0  }
0x9a: {  	[sflag:s18] =	ssyncadd.s32 $0xFFFFE000  }
.Ltmp0:
0x9b: {  	_ =	swait.ge [sflag:s18], $0x2000;
	(pc) =	sbr.rel @p0 .LBB2_2-.Ltmp0, $4  }
0x9c: {  	[sflag:s18] =	ssyncset.done $0x0  }
0x9d: {  	[sflag:s18] =	ssyncadd.s32 $0xFFFFE000  }
0x9e: {  	_ =	swait.ge [sflag:s18], $0x2000  }
0x9f: {  	s20 =	sadd.s32 $0x2000, s20;
	s23 =	smov.u32 s22;
	[sflag:s18] =	ssyncset.done $0x0  }
0xa0: {  	s21 =	sshra.s32 s21, $0x2;
	[sflag:s18] =	ssyncadd.s32 $0xFFFFE000  }
0xa1: {  	[tilespmem:s9], [sflag:$0x1] =	stream.indirect.gather [hbm4b:s3+s8], $0x40, s21, s8, $0xb8;
	[tilespmem:$0x16400] =	vst v63  }
0xa2: {  	s22 =	sadd.s32 $0x80, s21  }
0xa3: {  	[tilespmem:s10], [sflag:$0x1] =	stream.indirect.gather [hbm4b:s3+s8], $0x40, s22, s8, $0xb8;
	[tilespmem:$0x16400] =	vst v63  }
0xa4: {  	s28 =	sadd.s32 $0x100, s21  }
0xa5: {  	[tilespmem:s11], [sflag:$0x1] =	stream.indirect.gather [hbm4b:s3+s8], $0x40, s28, s8, $0xb8;
	[tilespmem:$0x16400] =	vst v63  }
0xa6: {  	s29 =	sadd.s32 $0x180, s21  }
0xa7: {  	[tilespmem:s12], [sflag:$0x1] =	stream.indirect.gather [hbm4b:s3+s8], $0x40, s29, s8, $0xb8;
	[tilespmem:$0x16400] =	vst v63  }
0xa8: {  	s30 =	sadd.s32 $0x200, s21  }
0xa9: {  	[tilespmem:s13], [sflag:$0x1] =	stream.indirect.gather [hbm4b:s3+s8], $0x40, s30, s8, $0xb8;
	[tilespmem:$0x16400] =	vst v63  }
0xaa: {  	s31 =	sadd.s32 $0x280, s21  }
0xab: {  	[tilespmem:s14], [sflag:$0x1] =	stream.indirect.gather [hbm4b:s3+s8], $0x40, s31, s8, $0xb8;
	[tilespmem:$0x16400] =	vst v63  }
0xac: {  	s23 =	sadd.s32 $0x300, s21  }
0xad: {  	[tilespmem:s15], [sflag:$0x1] =	stream.indirect.gather [hbm4b:s3+s8], $0x40, s23, s8, $0xb8;
	[tilespmem:$0x16400] =	vst v63  }
0xae: {  	s21 =	sadd.s32 $0x380, s21  }
0xaf: {  	[tilespmem:s16], [sflag:$0x1] =	stream.indirect.gather [hbm4b:s3+s8], $0x40, s21, s8, $0xb8;
	[tilespmem:$0x16400] =	vst v63  }
0xb0: {  	_ =	swait.ge [sflag:s17], $0x2000  }
0xb1: {  	[sflag:s17] =	ssyncset.done $0x0  }
0xb2: {  	[sflag:s17] =	ssyncadd.s32 $0xFFFFE000  }
0xb3: {  	[hbm4b:s20+s2] =	stream.linear.scatter [tilespmem:s9], [sflag:$0x2], $0x2000, $0x38;
	[tilespmem:$0x16400] =	vst v63  }
0xb4: {  	_ =	swait.ge [sflag:s17], $0x2000  }
0xb5: {  	[sflag:s17] =	ssyncset.done $0x0  }
0xb6: {  	s24 =	sadd.s32 $0x400, s20;
	[sflag:s17] =	ssyncadd.s32 $0xFFFFE000  }
0xb7: {  	[hbm4b:s24+s2] =	stream.linear.scatter [tilespmem:s10], [sflag:$0x2], $0x2000, $0x38;
	[tilespmem:$0x16400] =	vst v63  }
0xb8: {  	_ =	swait.ge [sflag:s17], $0x2000  }
0xb9: {  	[sflag:s17] =	ssyncset.done $0x0  }
0xba: {  	s25 =	sadd.s32 $0x800, s20;
	[sflag:s17] =	ssyncadd.s32 $0xFFFFE000  }
0xbb: {  	[hbm4b:s25+s2] =	stream.linear.scatter [tilespmem:s11], [sflag:$0x2], $0x2000, $0x38;
	[tilespmem:$0x16400] =	vst v63  }
0xbc: {  	_ =	swait.ge [sflag:s17], $0x2000  }
0xbd: {  	[sflag:s17] =	ssyncset.done $0x0  }
0xbe: {  	s26 =	sadd.s32 $0xC00, s20;
	[sflag:s17] =	ssyncadd.s32 $0xFFFFE000  }
0xbf: {  	[hbm4b:s26+s2] =	stream.linear.scatter [tilespmem:s12], [sflag:$0x2], $0x2000, $0x38;
	[tilespmem:$0x16400] =	vst v63  }
0xc0: {  	_ =	swait.ge [sflag:s17], $0x2000  }
0xc1: {  	[sflag:s17] =	ssyncset.done $0x0  }
0xc2: {  	s28 =	sadd.s32 $0x1000, s20;
	[sflag:s17] =	ssyncadd.s32 $0xFFFFE000  }
0xc3: {  	[hbm4b:s28+s2] =	stream.linear.scatter [tilespmem:s13], [sflag:$0x2], $0x2000, $0x38;
	[tilespmem:$0x16400] =	vst v63  }
0xc4: {  	_ =	swait.ge [sflag:s17], $0x2000  }
0xc5: {  	[sflag:s17] =	ssyncset.done $0x0  }
0xc6: {  	s29 =	sadd.s32 $0x1400, s20;
	[sflag:s17] =	ssyncadd.s32 $0xFFFFE000  }
0xc7: {  	[hbm4b:s29+s2] =	stream.linear.scatter [tilespmem:s14], [sflag:$0x2], $0x2000, $0x38;
	[tilespmem:$0x16400] =	vst v63  }
0xc8: {  	_ =	swait.ge [sflag:s17], $0x2000  }
0xc9: {  	[sflag:s17] =	ssyncset.done $0x0  }
0xca: {  	s30 =	sadd.s32 $0x1800, s20;
	[sflag:s17] =	ssyncadd.s32 $0xFFFFE000  }
0xcb: {  	[hbm4b:s30+s2] =	stream.linear.scatter [tilespmem:s15], [sflag:$0x2], $0x2000, $0x38;
	[tilespmem:$0x16400] =	vst v63  }
0xcc: {  	_ =	swait.ge [sflag:s17], $0x2000  }
0xcd: {  	[sflag:s17] =	ssyncset.done $0x0  }
0xce: {  	s31 =	sadd.s32 $0x1C00, s20;
	[sflag:s17] =	ssyncadd.s32 $0xFFFFE000  }
0xcf: {  	[hbm4b:s31+s2] =	stream.linear.scatter [tilespmem:s16], [sflag:$0x2], $0x2000, $0x38;
	[tilespmem:$0x16400] =	vst v63  }
0xd0: {  	_ =	swait.ge [sflag:s18], $0x2000  }
0xd1: {  	[sflag:s18] =	ssyncset.done $0x0  }
0xd2: {  	[sflag:s18] =	ssyncadd.s32 $0xFFFFE000  }
0xd3: {  	_ =	swait.ge [sflag:s18], $0x2000  }
0xd4: {  	[sflag:s18] =	ssyncset.done $0x0  }
0xd5: {  	[sflag:s18] =	ssyncadd.s32 $0xFFFFE000  }
0xd6: {  	_ =	swait.ge [sflag:s18], $0x2000  }
0xd7: {  	[sflag:s18] =	ssyncset.done $0x0  }
0xd8: {  	[sflag:s18] =	ssyncadd.s32 $0xFFFFE000  }
0xd9: {  	_ =	swait.ge [sflag:s18], $0x2000  }
0xda: {  	[sflag:s18] =	ssyncset.done $0x0  }
0xdb: {  	[sflag:s18] =	ssyncadd.s32 $0xFFFFE000  }
0xdc: {  	_ =	swait.ge [sflag:s18], $0x2000  }
0xdd: {  	[sflag:s18] =	ssyncset.done $0x0  }
0xde: {  	[sflag:s18] =	ssyncadd.s32 $0xFFFFE000  }
0xdf: {  	_ =	swait.ge [sflag:s18], $0x2000  }
0xe0: {  	[sflag:s18] =	ssyncset.done $0x0  }
0xe1: {  	s19 =	sadd.s32 $0x1, s19;
	[sflag:s18] =	ssyncadd.s32 $0xFFFFE000  }
0xe2: {  	p0 =	sne.s32 s19, s5;
	_ =	swait.ge [sflag:s18], $0x2000  }
.Ltmp1:
0xe3: {  	[sflag:s18] =	ssyncset.done $0x0;
	(pc) =	sbr.rel @p0 .LBB2_1-.Ltmp1, $4  }
0xe4: {  	[sflag:s18] =	ssyncadd.s32 $0xFFFFE000  }
0xe5: {  	_ =	swait.ge [sflag:s18], $0x2000  }
0xe6: {  	[sflag:s18] =	ssyncset.done $0x0  }
0xe7: {  	[sflag:s18] =	ssyncadd.s32 $0xFFFFE000  }
0xe8: {  	_ =	sfence.sel $0x180000  }
0xe9: {  	[bflag:$0x0] =	sbarrier.arrive $0xFFFF  }
0xea: {  	p0 =	sne.s32 s0, $0x0;
	_ =	strace $0x90000047  }
0xeb: {  	s0 =	sadd.s32 @!p0 $0x100000, s1;
	[bflag:$0x2] =	sbarrier.arrive $0xFFFF  }
0xec: {  	[sflag:s0] =	ssyncadd.tile.s32 @!p0 $0x1;
	_ =	shalt  }
.Lfunc_end2:
_tile_overlayer_lowered:
.L_overlay_start_2:
0xed: {  	(tag) =	ssettag $0x2  }
0xee: {  	s0 =	rddreg [dreg:$0x0];
	s2 =	stileid.u32  }
0xef: {  	s1 =	rddreg [dreg:$0x1];
	p0 =	sne.s32 s2, $0x0  }
0xf0: {  	s3 =	rddreg [dreg:$0x2];
	[bflag:$0x3] =	sbarrier.arrive $0xFFFF;
	s2 =	simm.s32 @!p0 $0x1C03  }
0xf1: {  	[timem:s3], [sflag:s2] =	dma.local @!p0 [hbm:s0], s1  }
0xf2: {  	s0 =	simm.s32 @!p0 $0x3  }
0xf3: {  	_ =	swait.ge @!p0 [sflag:s0], s1  }
0xf4: {  	s1 =	ssub.s32 @!p0 $0x0, s1;
	[sflag:s0] =	ssyncset.done @!p0 $0x0  }
0xf5: {  	[sflag:s0] =	ssyncadd.s32 @!p0 s1  }
0xf6: {  	[bflag:$0x3] =	sbarrier.arrive $0xFFFF  }
0xf7: {  	_ =	shalt  }

// kernel: sparse-core-data-format-call.cloned.1.call-start
scs
called_computation_lowered:
.L_overlay_start_0:
0x0: {  	s2 =	sld [smem:$0x3FD9]  }
0x1: {  	s3 =	sld [smem:$0x3FFE];
	_ =	sdelay $0x1  }
0x2: {  	s1 =	srdreg.scid  }
0x3: {  	s0 =	sand.u32 $0x1, s1  }
0x4: {  	s18 =	sshll.u32 s0, $0xA;
	s2 =	sadd.s32 s3, s2  }
0x5: {  	s2 =	sadd.s32 s2, s18  }
0x6: {  	[smem:$0x3FC6] =	sst s2  }
0x7: {  	_ = 	snop  }
0x8: {  	s2 =	sld [smem:$0x3FD0];
	(tm) =	ssettm $0x1  }
0x9: {  	s19 =	sld [smem:$0x3FFB];
	_ =	sdelay $0x3  }
0xa: {  	_ =	strace s19  }
0xb: {  	s3 =	sld [smem:$0x3FFC];
	_ =	sdelay $0x3  }
0xc: {  	_ =	strace s3  }
0xd: {  	s3 =	sld [smem:$0x3FFD];
	_ =	sdelay $0x3  }
0xe: {  	_ =	strace s3  }
0xf: {  	_ =	strace $0x8FFFFFFF  }
0x10: {  	s20 =	sld [smem:$0x3FDB];
	_ =	sdelay $0x1  }
0x11: {  	s4 =	simm.s32 $_scs_section_size  }
0x12: {  	s5 =	simm.s32 $_size__tile_overlayer_lowered;
	s6 =	simm.s32 $_tile_overlayer_lowered  }
0x13: {  	s23 =	simm.s32 $0x1BFF;
	s22 =	sshll.u32 s6, $0x1;
	s3 =	sadd.s32 s4, s20  }
0x14: {  	s7 =	simm.s32 $0x0;
	s21 =	sshll.u32 s5, $0x1;
	s5 =	sadd.s32 s22, s3  }
0x15: {  	[timem:s7], [sflag:s23] =	dma.local [hbm:s5], s21  }
0x16: {  	_ =	swait.ge [sflag:s23], s21  }
0x17: {  	s4 =	ssub.s32 $0x0, s21;
	[sflag:s23] =	ssyncset.done $0x0  }
0x18: {  	[sflag:s23] =	ssyncadd.s32 s4;
	_ =	sdelay $0x1  }
0x19: {  	s24 =	simm.s32 $0x1B8B  }
0x1a: {  	_ =	swait.ge [sflag:s24], $0x1  }
0x1b: {  	[sflag:s24] =	ssyncset.done $0x0  }
0x1c: {  	s26 =	simm.s32 $0x1B8E;
	s25 =	sld [smem:$0x3FFE];
	[sflag:s24] =	ssyncadd.s32 $0xFFFFFFFF  }
0x1d: {  	s27 =	simm.s32 $execute0_lowered;
	[smem:$0x3FD2] =	sst s26  }
0x1e: {  	s5 =	sshll.u32 s27, $0x1;
	_ =	strace $0x80000049;
	[dreg:$0x1] =	wrdreg $0xFFFFFFFF  }
0x1f: {  	s28 =	simm.s32 $_size_execute0_lowered;
	s3 =	sadd.s32 s3, s5;
	[dreg:$0x0] =	wrdreg $0x0  }
0x20: {  	s5 =	sshll.u32 s28, $0x1;
	[dreg:$0x2] =	wrdreg s3  }
0x21: {  	[dreg:$0x3] =	wrdreg s5  }
0x22: {  	[dreg:$0x4] =	wrdreg $0xC0  }
0x23: {  	_ =	task [dreg:s7], $0x5FFFF  }
0x24: {  	[dreg:$0x1] =	wrdreg $0xFFFFFFFF  }
0x25: {  	[dreg:$0x0] =	wrdreg $0x60  }
0x26: {  	[dreg:$0x2] =	wrdreg s25  }
0x27: {  	[dreg:$0x3] =	wrdreg s2  }
0x28: {  	[dreg:$0x4] =	wrdreg $0x9  }
0x29: {  	_ =	task.clear_ibuf [dreg:s7], $0x5FFFF;
	_ =	strace $0x90000049  }
0x2a: {  	s29 =	simm.s32 $0x9;
	_ =	strace $0x8000004B  }
0x2b: {  	_ =	swait.ge [sflag:s29], $0x1  }
0x2c: {  	[sflag:s29] =	ssyncadd.s32 $0xFFFFFFFF  }
0x2d: {  	_ =	strace $0x9000004B  }
0x2e: {  	_ =	sfence  }
0x2f: {  	s30 =	sld [smem:$0x0];
	_ =	sdelay $0x2  }
0x30: {  	s31 =	sshll.u32 s1, $0xD;
	s1 =	sshrl.u32 s1, $0x2  }
0x31: {  	s3 =	sand.u32 $0x4000, s31;
	s1 =	sadd.s32 s1, s30  }
0x32: {  	s0 =	sor.u32 s3, s0;
	s1 =	sshll.u32 s1, $0x11  }
0x33: {  	s0 =	sor.u32 s1, s0  }
0x34: {  	s0 =	sadd.s32 $0x8F2B, s0  }
0x35: {  	[sflag:s0] =	ssyncadd.remote.s32 $0x1  }
0x36: {  	_ =	sfence.sel $0xFFFF  }
0x37: {  	[dreg:$0x0] =	wrdreg $0xFFFFFFFF;
	(pc) =	sbr.abs _section_cstart, $3  }
0x38: {  	[dreg:$0x1] =	wrdreg $0xFFFFFFFF  }
0x39: {  	_ =	task.clear_ibuf [dreg:s7], $0x2FFFF;
	_ =	strace $0x9FFFFFFF  }
0x3a: {  	(tm) =	ssettm $0x7FFFFFFF  }
0x3b: {  	_ =	shalt  }
tec
execute0_lowered:
.L_overlay_start_1:
0x0: {  	(tag) =	ssettag $0x1  }
0x1: {  	s0 =	srdreg.scid  }
0x2: {  	s1 =	sshll.u32 s0, $0x4  }
0x3: {  	s0 =	stileid.u32;
	s1 =	sand.u32 $0x10, s1  }
0x4: {  	s1 =	sor.u32 s0, s1  }
0x5: {  	s6 =	rddreg [dreg:$0x0];
	s4 =	simm.s32 $0x1;
	s2 =	sshll.u32 s1, $0x7  }
0x6: {  	s7 =	simm.s32 $0x2;
	s12 =	simm.s32 $0x0;
	s1 =	ssub.s32 $0x4000, s2  }
0x7: {  	s8 =	simm.s32 $0x20000;
	s13 =	simm.s32 $0x0;
	s3 =	sand.u32 $0xF80, s1  }
0x8: {  	s9 =	simm.s32 $0x0;
	s5 =	sshrl.u32 s1, $0xC;
	p0 =	sne.s32 s3, $0x0  }
.Ltmp0:
0x9: {  	s1 =	rddreg [dreg:$0x2];
	s4 =	simm.s32 @!p0 $0x0;
	(pc) =	sbr.rel .LBB1_1-.Ltmp0, $4  }
0xa: {  	s11 =	simm.s32 $0x0;
	s3 =	rddreg [dreg:$0x1];
	s5 =	sadd.s32 s4, s5  }
0xb: {  	_ =	strace $0x8000004A;
	s4 =	simm.s32 $0x1;
	s5 =	smul.u32 $0x32, s5  }
0xc: {  	s6 =	sadd.s32 $0xA00, s6;
	s10 =	smov.u32 s2;
	[sflag:s4] =	ssyncpa.u1 $0x0  }
0xd: {  	p0 =	por $0x0, $0x0;
	[sflag:s7] =	ssyncpa.u1 $0x0;
	s7 =	sor.u32 $0x1, s5  }
.LBB1_4:
0xe: {  	s16 =	sshll.u32 s13, $0x3;
	s17 =	sand.u32 $0x78, s13  }
0xf: {  	s30 =	sand.u32 $0x1F800, s13;
	s12 =	sshll.u32 s12, $0x11;
	s16 =	sand.u32 $0x3C00, s16  }
0x10: {  	[tilespmem:s15+$0x810 ss:$0x81] =	vst.msk $0xffff, v2;
	s31 =	sand.u32 $0x7, s13;
	s16 =	sor.u32 s17, s16;
	s17 =	sadd.s32 s3, s30  }
0x11: {  	[tilespmem:s15+$0x1020 ss:$0x81] =	vst.msk $0xffff, v0;
	s13 =	sshll.u32 s31, $0x12;
	s12 =	sadd.s32 s12, s17;
	s16 =	sshrl.u32 s16, $0x3  }
0x12: {  	[tilespmem:s15+$0x0 ss:$0x81] =	vst.msk $0xffff, v1;
	s13 =	sor.u32 $0x400, s13;
	s12 =	sadd.s32 s16, s12  }
0x13: {  	[hbm4b:s12+s13] =	stream.strided.scatter [tilespmem:s14], [sflag:$0x2], $0x2000, s8, s13, $0x20;
	[tilespmem:$0x8080] =	vst v63  }
.LBB1_5:
0x14: {  	s14 =	sadd.s32 $0x1, s9  }
0x15: {  	s12 =	sadd.s32 $0x1000, s10;
	s16 =	smov.u32 s10;
	p2 =	sgt.s32 s14, $0x31  }
0x16: {  	s16 =	smov.u32 @p2 s12  }
0x17: {  	s14 =	simm.s32 @p2 $0x0;
	p2 =	sgt.s32 s16, $0x3FFF  }
0x18: {  	s16 =	smov.u32 @p2 s2;
	p2 =	sne.s32 s11, s7  }
.Ltmp1:
0x19: {  	p1 =	slt.u32 s11, $0x2;
	(pc) =	sbr.rel @!p2 .LBB1_6-.Ltmp1, $4  }
0x1a: {  	s15 =	simm.s32 @!p1 $0x2  }
0x1b: {  	s13 =	smov.u32 s10;
	p0 =	por !p0, !p0;
	_ =	swait.ge @!p1 [sflag:s15], $0x2000  }
0x1c: {  	s12 =	smov.u32 s9;
	[sflag:s15] =	ssyncset.done @!p1 $0x0;
	s9 =	smov.u32 s14  }
0x1d: {  	s11 =	sadd.s32 $0x1, s11;
	[sflag:s15] =	ssyncadd.s32 @!p1 $0xFFFFE000;
	s10 =	smov.u32 s16  }
.LBB1_1:
0x1e: {  	p1 =	sge.u32 s11, s5  }
0x1f: {  	s14 =	sand.u32 @!p1 $0x1FFFFFF, s9  }
0x20: {  	s15 =	smulhi.u32 @!p1 $0x4924925, s14;
	_ =	sdelay $0x1  }
0x21: {  	s15 =	smul.u32 @!p1 $0x38, s15  }
0x22: {  	s16 =	sxor.u32 @!p1 $0xFFFFFFFF, s11;
	s17 =	smul.u32 @!p1 $0x380, s10  }
0x23: {  	s31 =	sadd.s32 $0xFFFFFFFF, s11;
	s16 =	sshll.u32 @!p1 s16, $0xD;
	s14 =	ssub.s32 @!p1 s14, s15  }
0x24: {  	s15 =	sand.u32 @!p1 $0x2000, s16;
	s16 =	sadd.s32 @!p1 s6, s17;
	s14 =	sshll.u32 @!p1 s14, $0x4  }
0x25: {  	s17 =	simm.s32 @!p1 $0x1C00;
	s14 =	sadd.s32 @!p1 s14, s16;
	s16 =	simm.s32 @!p1 $0x40  }
0x26: {  	[tilespmem:s15], [sflag:$0x1] =	stream.strided.gather @!p1 [hbm4b:s14+s16], $0x2000, s17, s16, $0x38;
	[tilespmem:$0x8080] =	vst v63  }
0x27: {  	p1 =	sge.u32 s31, s5  }
.Ltmp2:
0x28: {  	_ = 	snop;
	(pc) =	sbr.rel @p1 .LBB1_5-.Ltmp2, $1  }
0x29: {  	_ =	sdelay $0x3  }
0x2a: {  	s14 =	simm.s32 $0x1  }
0x2b: {  	_ =	swait.ge [sflag:s4], $0x2000;
	s14 =	simm.s32 @!p0 $0x0  }
0x2c: {  	[sflag:s4] =	ssyncset.done $0x0;
	s15 =	sshll.u32 s14, $0xD  }
0x2d: {  	[sflag:s4] =	ssyncadd.s32 $0xFFFFE000;
	s18 =	sor.u32 $0x20, s15  }
0x2e: {  	s14 =	smul.u32 $0x8100, s14;
	v3 =	vld [tilespmem:s18+$0x10]  }
0x2f: {  	s30 =	sand.u32 $0x1, s11;
	v2 =	vld [tilespmem:s18+$0xFFFFFFF0]  }
0x30: {  	s15 =	smul.u32 $0x8100, s30;
	s14 =	sshrl.u32 s14, $0x2;
	v0 =	vld [tilespmem:s18+$0x0]  }
0x31: {  	v1 =	vld [tilespmem:s18+$0xFFFFFFE0];
	s16 =	sor.u32 $0x4000, s14  }
0x32: {  	s31 =	sshrl.u32 s15, $0x2;
	s15 =	sadd.s32 $0x0, s16  }
0x33: {  	s17 =	simm.s32 $0x4;
	s18 =	sadd.s32 $0x40, s18;
	s14 =	sor.u32 $0x4000, s31;
	[tilespmem:s15+$0x1830 ss:$0x81] =	vst.msk $0xffff, v3  }
.LBB1_3:
0x34: {  	v3 =	vld [tilespmem:s18+$0x10];
	p1 =	sne.s32 s17, $0x1FC;
	[tilespmem:s15+$0x810 ss:$0x81] =	vst.msk $0xffff, v2;
	s19 =	smov.u32 s17;
	s17 =	sadd.s32 $0x4, s17  }
.Ltmp3:
0x35: {  	v2 =	vld [tilespmem:s18+$0xFFFFFFF0];
	[tilespmem:s15+$0x1020 ss:$0x81] =	vst.msk $0xffff, v0;
	(pc) =	sbr.rel @p1 .LBB1_3-.Ltmp3, $4  }
0x36: {  	v0 =	vld [tilespmem:s18+$0x0];
	[tilespmem:s15+$0x0 ss:$0x81] =	vst.msk $0xffff, v1  }
0x37: {  	s15 =	sshra.s32 s19, $0x2;
	v1 =	vld [tilespmem:s18+$0xFFFFFFE0]  }
0x38: {  	s15 =	sadd.s32 s15, s16  }
0x39: {  	s18 =	sadd.s32 $0x40, s18;
	[tilespmem:s15+$0x1830 ss:$0x81] =	vst.msk $0xffff, v3  }
.Ltmp4:
0x3a: {  	_ = 	snop;
	(pc) =	sbr.rel .LBB1_4-.Ltmp4, $1  }
0x3b: {  	_ =	sdelay $0x3  }
.LBB1_6:
0x3c: {  	_ =	sfence.sel $0x180000  }
0x3d: {  	s2 =	simm.s32 $0x1;
	[bflag:$0x0] =	sbarrier.arrive $0xFFFF  }
0x3e: {  	s31 =	simm.s32 $0x2;
	[sflag:s2] =	ssyncpa.u1 $0x1  }
0x3f: {  	[sflag:s31] =	ssyncpa.u1 $0x1  }
0x40: {  	p0 =	sne.s32 s0, $0x0;
	_ =	strace $0x9000004A  }
0x41: {  	s0 =	sadd.s32 @!p0 $0x100000, s1;
	[bflag:$0x2] =	sbarrier.arrive $0xFFFF  }
0x42: {  	[sflag:s0] =	ssyncadd.tile.s32 @!p0 $0x1;
	_ =	shalt  }
.Lfunc_end1:
_tile_overlayer_lowered:
.L_overlay_start_2:
0x43: {  	(tag) =	ssettag $0x2  }
0x44: {  	s0 =	rddreg [dreg:$0x0];
	s2 =	stileid.u32  }
0x45: {  	s1 =	rddreg [dreg:$0x1];
	p0 =	sne.s32 s2, $0x0  }
0x46: {  	s3 =	rddreg [dreg:$0x2];
	[bflag:$0x3] =	sbarrier.arrive $0xFFFF;
	s2 =	simm.s32 @!p0 $0x1C01  }
0x47: {  	[timem:s3], [sflag:s2] =	dma.local @!p0 [hbm:s0], s1  }
0x48: {  	s0 =	simm.s32 @!p0 $0x1  }
0x49: {  	_ =	swait.ge @!p0 [sflag:s0], s1  }
0x4a: {  	s1 =	ssub.s32 @!p0 $0x0, s1;
	[sflag:s0] =	ssyncset.done @!p0 $0x0  }
0x4b: {  	[sflag:s0] =	ssyncadd.s32 @!p0 s1  }
0x4c: {  	[bflag:$0x3] =	sbarrier.arrive $0xFFFF  }
0x4d: {  	_ =	shalt  }

</sc_bundles>
